<compile_context>
chip_gen: v7x
topology: tpu7x:2x2x1
jax: 0.10.2.dev20260603
libtpu: 0.0.44.dev20260713+nightly
codegen_flags: <defaults>
</compile_context>

<pallas_src>
import functools

import jax
import jax.numpy as jnp
import numpy as np
from jax import lax
from jax.experimental import pallas as pl
from jax.experimental.pallas import tpu as pltpu
from jax.experimental.pallas import tpu_sc as plsc

NUM_BUCKETS = 32
MAX_DISTANCE = 128
NUM_HEADS = 16
S = 2048
NSHIFT = 16
LINE_LEN = 4096
LINE_PAD = LINE_LEN + NSHIFT

NUM_WORKERS = 32
ROWS_PER_WORKER = S // NUM_WORKERS


def _line_kernel(table_ref, lines_ref):
    k = lax.broadcasted_iota(jnp.int32, (NUM_HEADS, LINE_PAD), 1)
    d = k - (S - 1)
    nb = NUM_BUCKETS // 2
    rel_buckets = (d > 0).astype(jnp.int32) * nb
    ad = jnp.abs(d)
    max_exact = nb // 2
    is_small = ad < max_exact
    rp_f = jnp.maximum(ad, 1).astype(jnp.float32)
    large = max_exact + (
        jnp.log(rp_f / max_exact) / np.log(MAX_DISTANCE / max_exact) * (nb - max_exact)
    ).astype(jnp.int32)
    large = jnp.minimum(large, jnp.full_like(large, nb - 1))
    bucket = rel_buckets + jnp.where(is_small, ad, large)

    line = jnp.zeros((NUM_HEADS, LINE_PAD), jnp.float32)
    for b in range(NUM_BUCKETS):
        val = table_ref[b, :][:, None]
        line = jnp.where(bucket == b, val, line)
    for c in range(NSHIFT):
        lines_ref[c] = line[:, c : c + LINE_LEN]


def _make_sc_expand():
    mesh = plsc.VectorSubcoreMesh(core_axis_name="c", subcore_axis_name="s")

    @functools.partial(
        pl.kernel,
        mesh=mesh,
        out_type=jax.ShapeDtypeStruct((NUM_HEADS, S, S), jnp.float32),
        scratch_types=[
            pltpu.VMEM_SHARED((NSHIFT, NUM_HEADS, LINE_LEN), jnp.float32),
            pltpu.SemaphoreType.DMA,
        ],
        compiler_params=pltpu.CompilerParams(use_tc_tiling_on_sc=False),
    )
    def sc_expand(lines_hbm, out_hbm, spmem, sem):
        cid = lax.axis_index("c")
        sid = lax.axis_index("s")
        pltpu.sync_copy(lines_hbm.at[sid], spmem.at[sid])
        plsc.subcore_barrier()

        w = sid * 2 + cid
        chunk = 16

        def chunk_body(k, _):
            copies = []
            for r in range(chunk):
                i = w * ROWS_PER_WORKER + k * chunk + r
                sdist = (S - 1) - i
                c16 = lax.rem(sdist, NSHIFT)
                base = pl.multiple_of(sdist - c16, NSHIFT)
                cp = pltpu.make_async_copy(
                    spmem.at[c16, :, pl.ds(base, S)], out_hbm.at[:, i, :], sem
                )
                cp.start()
                copies.append(cp)
            for cp in copies:
                cp.wait()
            return 0

        lax.fori_loop(0, ROWS_PER_WORKER // chunk, chunk_body, 0)

    return sc_expand


def kernel(input_ids, attention_mask, bias_table):
    del input_ids, attention_mask
    lines = pl.pallas_call(
        _line_kernel,
        out_shape=jax.ShapeDtypeStruct((NSHIFT, NUM_HEADS, LINE_LEN), jnp.float32),
    )(bias_table)
    out = _make_sc_expand()(lines)
    return out[None]

# --- scband reference (transcript-rebuilt; emitter-appended) ---
"""Pipeline reference for scband-relative-position-bias-base-1271310320310 (READ-ONLY COPY).

The authoritative reference and input builder live on the scoring server;
editing this copy changes nothing except your own understanding.
"""

import jax, jax.numpy as jnp
import numpy as np

NUM_BUCKETS = 32
MAX_DISTANCE = 128
NUM_HEADS = 16
BIDIRECTIONAL = True
SCALING_FACTOR = 1


def _relative_position_bucket(relative_position, bidirectional=True, num_buckets=32, max_distance=128):
    # Faithful port of T5Attention._relative_position_bucket
    relative_buckets = jnp.zeros_like(relative_position)
    if bidirectional:
        num_buckets = num_buckets // 2
        relative_buckets = relative_buckets + (relative_position > 0).astype(relative_position.dtype) * num_buckets
        relative_position = jnp.abs(relative_position)
    else:
        relative_position = -jnp.minimum(relative_position, jnp.zeros_like(relative_position))
    # now relative_position is in [0, inf)
    max_exact = num_buckets // 2
    is_small = relative_position < max_exact
    rp_f = jnp.maximum(relative_position, 1).astype(jnp.float32)  # avoid log(0); masked out by is_small anyway
    relative_position_if_large = max_exact + (
        jnp.log(rp_f / max_exact) / np.log(max_distance / max_exact) * (num_buckets - max_exact)
    ).astype(relative_position.dtype)
    relative_position_if_large = jnp.minimum(
        relative_position_if_large, jnp.full_like(relative_position_if_large, num_buckets - 1)
    )
    relative_buckets = relative_buckets + jnp.where(is_small, relative_position, relative_position_if_large)
    return relative_buckets


def setup_inputs(seed: int = 0) -> dict:
    key = jax.random.key(seed)
    k1, k2 = jax.random.split(key)
    B, S = 1, 2048
    input_ids = jax.random.randint(k1, (B, S), 0, 32000, dtype=jnp.int32)
    attention_mask = jnp.ones((B, S), dtype=jnp.int32)
    # learned relative attention bias embedding table: [num_buckets, num_heads]
    bias_table = jax.random.normal(k2, (NUM_BUCKETS, NUM_HEADS), dtype=jnp.float32) * 0.02
    return {"input_ids": input_ids, "attention_mask": attention_mask, "bias_table": bias_table}


def reference(input_ids, attention_mask, bias_table):
    # prepare_input (1D sequential variant, as in RelativePositionBias1D subclass):
    # positions are token indices along the sequence
    B, S = input_ids.shape
    positions = jnp.broadcast_to(jnp.arange(S, dtype=jnp.int32)[None, :], (B, S))
    # get_relative_position
    context_position = positions[:, :, None]
    memory_position = positions[:, None, :]
    relative_position = (memory_position - context_position) * SCALING_FACTOR
    relative_position = relative_position.astype(jnp.int32)
    # get_bucket
    rp_bucket = _relative_position_bucket(
        relative_position, bidirectional=BIDIRECTIONAL, num_buckets=NUM_BUCKETS, max_distance=MAX_DISTANCE
    )
    # embedding lookup: [B, S, S] -> [B, S, S, H]
    values = jnp.take(bias_table, rp_bucket, axis=0)
    # permute([0, 3, 1, 2]) -> [B, H, S, S]
    values = jnp.transpose(values, (0, 3, 1, 2))
    return values

if __name__ == "__main__":
    import jax
    _d = setup_inputs()
    print(jax.jit(kernel)(*tuple(_d.values())))

</pallas_src>

<mosaic_0001>
#map = affine_map<(d0, d1) -> (0, 0, 0)>
module attributes {stable_mosaic.version = 14 : i64} {
  func.func @sc_expand(%arg0: i32, %arg1: i32, %arg2: memref<16x16x4096xf32, #tpu.memory_space<hbm>>, %arg3: memref<16x2048x2048xf32, #tpu.memory_space<hbm>>, %arg4: memref<16x16x4096xf32, #tpu.memory_space<vmem_shared>>, %arg5: memref<!tpu.dma_semaphore, #tpu.memory_space<semaphore_mem>>) attributes {dimension_semantics = [#tpu.dimension_semantics<core_parallel>, #tpu.dimension_semantics<subcore_parallel>], iteration_bounds = array<i64: 2, 16>, scalar_prefetch = 0 : i64, scratch_operands = 2 : i64, tpu.core_type = #tpu.core_type<sc_vector_subcore>, window_params = [{transform_indices = #map}, {transform_indices = #map}]} {
    "tpu.region"() ({
      %run_scoped3A = tpu.sem_alloc : memref<!tpu.dma_semaphore, #tpu.memory_space<semaphore_mem>>
      %dma_start3A = arith.constant 0 : i32
      %dma_start3A_7 = arith.constant 0 : i32
      %dma_start3A_8 = tpu.memref_slice %arg4[%arg1, %dma_start3A, %dma_start3A_7] : memref<16x16x4096xf32, #tpu.memory_space<vmem_shared>> -> memref<1x16x4096xf32, #tpu.memory_space<vmem_shared>>
      %dma_start3A_9 = tpu.memref_squeeze %dma_start3A_8 : memref<1x16x4096xf32, #tpu.memory_space<vmem_shared>> -> memref<16x4096xf32, #tpu.memory_space<vmem_shared>>
      %dma_start3A_10 = arith.constant 0 : i32
      %dma_start3A_11 = arith.constant 0 : i32
      %dma_start3A_12 = tpu.memref_slice %arg2[%arg1, %dma_start3A_10, %dma_start3A_11] : memref<16x16x4096xf32, #tpu.memory_space<hbm>> -> memref<1x16x4096xf32, #tpu.memory_space<hbm>>
      %dma_start3A_13 = tpu.memref_squeeze %dma_start3A_12 : memref<1x16x4096xf32, #tpu.memory_space<hbm>> -> memref<16x4096xf32, #tpu.memory_space<hbm>>
      tpu.enqueue_dma source(%dma_start3A_13 : memref<16x4096xf32, #tpu.memory_space<hbm>>) target(%dma_start3A_9 : memref<16x4096xf32, #tpu.memory_space<vmem_shared>>) target_semaphore(%run_scoped3A : memref<!tpu.dma_semaphore, #tpu.memory_space<semaphore_mem>>)
      %dma_wait3A = arith.constant 0 : i32
      %dma_wait3A_14 = arith.constant 0 : i32
      %dma_wait3A_15 = tpu.memref_slice %arg4[%arg1, %dma_wait3A, %dma_wait3A_14] : memref<16x16x4096xf32, #tpu.memory_space<vmem_shared>> -> memref<1x16x4096xf32, #tpu.memory_space<vmem_shared>>
      %dma_wait3A_16 = tpu.memref_squeeze %dma_wait3A_15 : memref<1x16x4096xf32, #tpu.memory_space<vmem_shared>> -> memref<16x4096xf32, #tpu.memory_space<vmem_shared>>
      %dma_wait3A_17 = arith.constant 0 : i32
      %dma_wait3A_18 = arith.constant 0 : i32
      %dma_wait3A_19 = tpu.memref_slice %arg2[%arg1, %dma_wait3A_17, %dma_wait3A_18] : memref<16x16x4096xf32, #tpu.memory_space<hbm>> -> memref<1x16x4096xf32, #tpu.memory_space<hbm>>
      %dma_wait3A_20 = tpu.memref_squeeze %dma_wait3A_19 : memref<1x16x4096xf32, #tpu.memory_space<hbm>> -> memref<16x4096xf32, #tpu.memory_space<hbm>>
      tpu.wait_dma2 semaphore(%run_scoped3A : memref<!tpu.dma_semaphore, #tpu.memory_space<semaphore_mem>>) src(%dma_wait3A_20 : memref<16x4096xf32, #tpu.memory_space<hbm>>) dst(%dma_wait3A_16 : memref<16x4096xf32, #tpu.memory_space<vmem_shared>>)
      tpu.yield
    }) : () -> ()
    %barrier3A = arith.constant 0 : index
    tpu.barrier barrier_id(%barrier3A)
    %mul3A = arith.constant 2 : i32
    %mul3A_0 = arith.muli %arg1, %mul3A : i32
    %add3A = arith.addi %mul3A_0, %arg0 : i32
    %scan3A = arith.constant 0 : i32
    %scan3A_1 = arith.constant 0 : i32
    %scan3A_2 = arith.constant 4 : i32
    %scan3A_3 = arith.addi %scan3A_1, %scan3A_2 : i32
    %scan3A_4 = arith.constant 1 : i32
    %scan3A_5 = scf.for %scan3A_7 = %scan3A_1 to %scan3A_3 step %scan3A_4 iter_args(%scan3A_8 = %scan3A) -> (i32)  : i32 {
      %mul3A_9 = arith.constant 64 : i32
      %mul3A_10 = arith.muli %add3A, %mul3A_9 : i32
      %mul3A_11 = arith.constant 16 : i32
      %mul3A_12 = arith.muli %scan3A_7, %mul3A_11 : i32
      %add3A_13 = arith.addi %mul3A_10, %mul3A_12 : i32
      %add3A_14 = arith.constant 0 : i32
      %add3A_15 = arith.addi %add3A_13, %add3A_14 : i32
      %sub3A = arith.constant 2047 : i32
      %sub3A_16 = arith.subi %sub3A, %add3A_15 : i32
      %rem3A = arith.constant 16 : i32
      %rem3A_17 = arith.remsi %sub3A_16, %rem3A : i32
      %sub3A_18 = arith.subi %sub3A_16, %rem3A_17 : i32
      %multiple_of3A = tpu.assume_multiple %sub3A_18, 16 : i32
      %dma_start3A = arith.constant 0 : i32
      %dma_start3A_19 = arith.constant 0 : i32
      %dma_start3A_20 = tpu.memref_slice %arg3[%dma_start3A, %add3A_15, %dma_start3A_19] : memref<16x2048x2048xf32, #tpu.memory_space<hbm>> -> memref<16x1x2048xf32, #tpu.memory_space<hbm>>
      %dma_start3A_21 = tpu.memref_squeeze %dma_start3A_20 : memref<16x1x2048xf32, #tpu.memory_space<hbm>> -> memref<16x2048xf32, #tpu.memory_space<hbm>>
      %dma_start3A_22 = arith.constant 0 : i32
      %dma_start3A_23 = tpu.memref_slice %arg4[%rem3A_17, %dma_start3A_22, %multiple_of3A] : memref<16x16x4096xf32, #tpu.memory_space<vmem_shared>> -> memref<1x16x2048xf32, #tpu.memory_space<vmem_shared>>
      %dma_start3A_24 = tpu.memref_squeeze %dma_start3A_23 : memref<1x16x2048xf32, #tpu.memory_space<vmem_shared>> -> memref<16x2048xf32, #tpu.memory_space<vmem_shared>>
      tpu.enqueue_dma source(%dma_start3A_24 : memref<16x2048xf32, #tpu.memory_space<vmem_shared>>) target(%dma_start3A_21 : memref<16x2048xf32, #tpu.memory_space<hbm>>) target_semaphore(%arg5 : memref<!tpu.dma_semaphore, #tpu.memory_space<semaphore_mem>>)
      %mul3A_25 = arith.constant 64 : i32
      %mul3A_26 = arith.muli %add3A, %mul3A_25 : i32
      %mul3A_27 = arith.constant 16 : i32
      %mul3A_28 = arith.muli %scan3A_7, %mul3A_27 : i32
      %add3A_29 = arith.addi %mul3A_26, %mul3A_28 : i32
      %add3A_30 = arith.constant 1 : i32
      %add3A_31 = arith.addi %add3A_29, %add3A_30 : i32
      %sub3A_32 = arith.constant 2047 : i32
      %sub3A_33 = arith.subi %sub3A_32, %add3A_31 : i32
      %rem3A_34 = arith.constant 16 : i32
      %rem3A_35 = arith.remsi %sub3A_33, %rem3A_34 : i32
      %sub3A_36 = arith.subi %sub3A_33, %rem3A_35 : i32
      %multiple_of3A_37 = tpu.assume_multiple %sub3A_36, 16 : i32
      %dma_start3A_38 = arith.constant 0 : i32
      %dma_start3A_39 = arith.constant 0 : i32
      %dma_start3A_40 = tpu.memref_slice %arg3[%dma_start3A_38, %add3A_31, %dma_start3A_39] : memref<16x2048x2048xf32, #tpu.memory_space<hbm>> -> memref<16x1x2048xf32, #tpu.memory_space<hbm>>
      %dma_start3A_41 = tpu.memref_squeeze %dma_start3A_40 : memref<16x1x2048xf32, #tpu.memory_space<hbm>> -> memref<16x2048xf32, #tpu.memory_space<hbm>>
      %dma_start3A_42 = arith.constant 0 : i32
      %dma_start3A_43 = tpu.memref_slice %arg4[%rem3A_35, %dma_start3A_42, %multiple_of3A_37] : memref<16x16x4096xf32, #tpu.memory_space<vmem_shared>> -> memref<1x16x2048xf32, #tpu.memory_space<vmem_shared>>
      %dma_start3A_44 = tpu.memref_squeeze %dma_start3A_43 : memref<1x16x2048xf32, #tpu.memory_space<vmem_shared>> -> memref<16x2048xf32, #tpu.memory_space<vmem_shared>>
      tpu.enqueue_dma source(%dma_start3A_44 : memref<16x2048xf32, #tpu.memory_space<vmem_shared>>) target(%dma_start3A_41 : memref<16x2048xf32, #tpu.memory_space<hbm>>) target_semaphore(%arg5 : memref<!tpu.dma_semaphore, #tpu.memory_space<semaphore_mem>>)
      %mul3A_45 = arith.constant 64 : i32
      %mul3A_46 = arith.muli %add3A, %mul3A_45 : i32
      %mul3A_47 = arith.constant 16 : i32
      %mul3A_48 = arith.muli %scan3A_7, %mul3A_47 : i32
      %add3A_49 = arith.addi %mul3A_46, %mul3A_48 : i32
      %add3A_50 = arith.constant 2 : i32
      %add3A_51 = arith.addi %add3A_49, %add3A_50 : i32
      %sub3A_52 = arith.constant 2047 : i32
      %sub3A_53 = arith.subi %sub3A_52, %add3A_51 : i32
      %rem3A_54 = arith.constant 16 : i32
      %rem3A_55 = arith.remsi %sub3A_53, %rem3A_54 : i32
      %sub3A_56 = arith.subi %sub3A_53, %rem3A_55 : i32
      %multiple_of3A_57 = tpu.assume_multiple %sub3A_56, 16 : i32
      %dma_start3A_58 = arith.constant 0 : i32
      %dma_start3A_59 = arith.constant 0 : i32
      %dma_start3A_60 = tpu.memref_slice %arg3[%dma_start3A_58, %add3A_51, %dma_start3A_59] : memref<16x2048x2048xf32, #tpu.memory_space<hbm>> -> memref<16x1x2048xf32, #tpu.memory_space<hbm>>
      %dma_start3A_61 = tpu.memref_squeeze %dma_start3A_60 : memref<16x1x2048xf32, #tpu.memory_space<hbm>> -> memref<16x2048xf32, #tpu.memory_space<hbm>>
      %dma_start3A_62 = arith.constant 0 : i32
      %dma_start3A_63 = tpu.memref_slice %arg4[%rem3A_55, %dma_start3A_62, %multiple_of3A_57] : memref<16x16x4096xf32, #tpu.memory_space<vmem_shared>> -> memref<1x16x2048xf32, #tpu.memory_space<vmem_shared>>
      %dma_start3A_64 = tpu.memref_squeeze %dma_start3A_63 : memref<1x16x2048xf32, #tpu.memory_space<vmem_shared>> -> memref<16x2048xf32, #tpu.memory_space<vmem_shared>>
      tpu.enqueue_dma source(%dma_start3A_64 : memref<16x2048xf32, #tpu.memory_space<vmem_shared>>) target(%dma_start3A_61 : memref<16x2048xf32, #tpu.memory_space<hbm>>) target_semaphore(%arg5 : memref<!tpu.dma_semaphore, #tpu.memory_space<semaphore_mem>>)
      %mul3A_65 = arith.constant 64 : i32
      %mul3A_66 = arith.muli %add3A, %mul3A_65 : i32
      %mul3A_67 = arith.constant 16 : i32
      %mul3A_68 = arith.muli %scan3A_7, %mul3A_67 : i32
      %add3A_69 = arith.addi %mul3A_66, %mul3A_68 : i32
      %add3A_70 = arith.constant 3 : i32
      %add3A_71 = arith.addi %add3A_69, %add3A_70 : i32
      %sub3A_72 = arith.constant 2047 : i32
      %sub3A_73 = arith.subi %sub3A_72, %add3A_71 : i32
      %rem3A_74 = arith.constant 16 : i32
      %rem3A_75 = arith.remsi %sub3A_73, %rem3A_74 : i32
      %sub3A_76 = arith.subi %sub3A_73, %rem3A_75 : i32
      %multiple_of3A_77 = tpu.assume_multiple %sub3A_76, 16 : i32
      %dma_start3A_78 = arith.constant 0 : i32
      %dma_start3A_79 = arith.constant 0 : i32
      %dma_start3A_80 = tpu.memref_slice %arg3[%dma_start3A_78, %add3A_71, %dma_start3A_79] : memref<16x2048x2048xf32, #tpu.memory_space<hbm>> -> memref<16x1x2048xf32, #tpu.memory_space<hbm>>
      %dma_start3A_81 = tpu.memref_squeeze %dma_start3A_80 : memref<16x1x2048xf32, #tpu.memory_space<hbm>> -> memref<16x2048xf32, #tpu.memory_space<hbm>>
      %dma_start3A_82 = arith.constant 0 : i32
      %dma_start3A_83 = tpu.memref_slice %arg4[%rem3A_75, %dma_start3A_82, %multiple_of3A_77] : memref<16x16x4096xf32, #tpu.memory_space<vmem_shared>> -> memref<1x16x2048xf32, #tpu.memory_space<vmem_shared>>
      %dma_start3A_84 = tpu.memref_squeeze %dma_start3A_83 : memref<1x16x2048xf32, #tpu.memory_space<vmem_shared>> -> memref<16x2048xf32, #tpu.memory_space<vmem_shared>>
      tpu.enqueue_dma source(%dma_start3A_84 : memref<16x2048xf32, #tpu.memory_space<vmem_shared>>) target(%dma_start3A_81 : memref<16x2048xf32, #tpu.memory_space<hbm>>) target_semaphore(%arg5 : memref<!tpu.dma_semaphore, #tpu.memory_space<semaphore_mem>>)
      %mul3A_85 = arith.constant 64 : i32
      %mul3A_86 = arith.muli %add3A, %mul3A_85 : i32
      %mul3A_87 = arith.constant 16 : i32
      %mul3A_88 = arith.muli %scan3A_7, %mul3A_87 : i32
      %add3A_89 = arith.addi %mul3A_86, %mul3A_88 : i32
      %add3A_90 = arith.constant 4 : i32
      %add3A_91 = arith.addi %add3A_89, %add3A_90 : i32
      %sub3A_92 = arith.constant 2047 : i32
      %sub3A_93 = arith.subi %sub3A_92, %add3A_91 : i32
      %rem3A_94 = arith.constant 16 : i32
      %rem3A_95 = arith.remsi %sub3A_93, %rem3A_94 : i32
      %sub3A_96 = arith.subi %sub3A_93, %rem3A_95 : i32
      %multiple_of3A_97 = tpu.assume_multiple %sub3A_96, 16 : i32
      %dma_start3A_98 = arith.constant 0 : i32
      %dma_start3A_99 = arith.constant 0 : i32
      %dma_start3A_100 = tpu.memref_slice %arg3[%dma_start3A_98, %add3A_91, %dma_start3A_99] : memref<16x2048x2048xf32, #tpu.memory_space<hbm>> -> memref<16x1x2048xf32, #tpu.memory_space<hbm>>
      %dma_start3A_101 = tpu.memref_squeeze %dma_start3A_100 : memref<16x1x2048xf32, #tpu.memory_space<hbm>> -> memref<16x2048xf32, #tpu.memory_space<hbm>>
      %dma_start3A_102 = arith.constant 0 : i32
      %dma_start3A_103 = tpu.memref_slice %arg4[%rem3A_95, %dma_start3A_102, %multiple_of3A_97] : memref<16x16x4096xf32, #tpu.memory_space<vmem_shared>> -> memref<1x16x2048xf32, #tpu.memory_space<vmem_shared>>
      %dma_start3A_104 = tpu.memref_squeeze %dma_start3A_103 : memref<1x16x2048xf32, #tpu.memory_space<vmem_shared>> -> memref<16x2048xf32, #tpu.memory_space<vmem_shared>>
      tpu.enqueue_dma source(%dma_start3A_104 : memref<16x2048xf32, #tpu.memory_space<vmem_shared>>) target(%dma_start3A_101 : memref<16x2048xf32, #tpu.memory_space<hbm>>) target_semaphore(%arg5 : memref<!tpu.dma_semaphore, #tpu.memory_space<semaphore_mem>>)
      %mul3A_105 = arith.constant 64 : i32
      %mul3A_106 = arith.muli %add3A, %mul3A_105 : i32
      %mul3A_107 = arith.constant 16 : i32
      %mul3A_108 = arith.muli %scan3A_7, %mul3A_107 : i32
      %add3A_109 = arith.addi %mul3A_106, %mul3A_108 : i32
      %add3A_110 = arith.constant 5 : i32
      %add3A_111 = arith.addi %add3A_109, %add3A_110 : i32
      %sub3A_112 = arith.constant 2047 : i32
      %sub3A_113 = arith.subi %sub3A_112, %add3A_111 : i32
      %rem3A_114 = arith.constant 16 : i32
      %rem3A_115 = arith.remsi %sub3A_113, %rem3A_114 : i32
      %sub3A_116 = arith.subi %sub3A_113, %rem3A_115 : i32
      %multiple_of3A_117 = tpu.assume_multiple %sub3A_116, 16 : i32
      %dma_start3A_118 = arith.constant 0 : i32
      %dma_start3A_119 = arith.constant 0 : i32
      %dma_start3A_120 = tpu.memref_slice %arg3[%dma_start3A_118, %add3A_111, %dma_start3A_119] : memref<16x2048x2048xf32, #tpu.memory_space<hbm>> -> memref<16x1x2048xf32, #tpu.memory_space<hbm>>
      %dma_start3A_121 = tpu.memref_squeeze %dma_start3A_120 : memref<16x1x2048xf32, #tpu.memory_space<hbm>> -> memref<16x2048xf32, #tpu.memory_space<hbm>>
      %dma_start3A_122 = arith.constant 0 : i32
      %dma_start3A_123 = tpu.memref_slice %arg4[%rem3A_115, %dma_start3A_122, %multiple_of3A_117] : memref<16x16x4096xf32, #tpu.memory_space<vmem_shared>> -> memref<1x16x2048xf32, #tpu.memory_space<vmem_shared>>
      %dma_start3A_124 = tpu.memref_squeeze %dma_start3A_123 : memref<1x16x2048xf32, #tpu.memory_space<vmem_shared>> -> memref<16x2048xf32, #tpu.memory_space<vmem_shared>>
      tpu.enqueue_dma source(%dma_start3A_124 : memref<16x2048xf32, #tpu.memory_space<vmem_shared>>) target(%dma_start3A_121 : memref<16x2048xf32, #tpu.memory_space<hbm>>) target_semaphore(%arg5 : memref<!tpu.dma_semaphore, #tpu.memory_space<semaphore_mem>>)
      %mul3A_125 = arith.constant 64 : i32
      %mul3A_126 = arith.muli %add3A, %mul3A_125 : i32
      %mul3A_127 = arith.constant 16 : i32
      %mul3A_128 = arith.muli %scan3A_7, %mul3A_127 : i32
      %add3A_129 = arith.addi %mul3A_126, %mul3A_128 : i32
      %add3A_130 = arith.constant 6 : i32
      %add3A_131 = arith.addi %add3A_129, %add3A_130 : i32
      %sub3A_132 = arith.constant 2047 : i32
      %sub3A_133 = arith.subi %sub3A_132, %add3A_131 : i32
      %rem3A_134 = arith.constant 16 : i32
      %rem3A_135 = arith.remsi %sub3A_133, %rem3A_134 : i32
      %sub3A_136 = arith.subi %sub3A_133, %rem3A_135 : i32
      %multiple_of3A_137 = tpu.assume_multiple %sub3A_136, 16 : i32
      %dma_start3A_138 = arith.constant 0 : i32
      %dma_start3A_139 = arith.constant 0 : i32
      %dma_start3A_140 = tpu.memref_slice %arg3[%dma_start3A_138, %add3A_131, %dma_start3A_139] : memref<16x2048x2048xf32, #tpu.memory_space<hbm>> -> memref<16x1x2048xf32, #tpu.memory_space<hbm>>
      %dma_start3A_141 = tpu.memref_squeeze %dma_start3A_140 : memref<16x1x2048xf32, #tpu.memory_space<hbm>> -> memref<16x2048xf32, #tpu.memory_space<hbm>>
      %dma_start3A_142 = arith.constant 0 : i32
      %dma_start3A_143 = tpu.memref_slice %arg4[%rem3A_135, %dma_start3A_142, %multiple_of3A_137] : memref<16x16x4096xf32, #tpu.memory_space<vmem_shared>> -> memref<1x16x2048xf32, #tpu.memory_space<vmem_shared>>
      %dma_start3A_144 = tpu.memref_squeeze %dma_start3A_143 : memref<1x16x2048xf32, #tpu.memory_space<vmem_shared>> -> memref<16x2048xf32, #tpu.memory_space<vmem_shared>>
      tpu.enqueue_dma source(%dma_start3A_144 : memref<16x2048xf32, #tpu.memory_space<vmem_shared>>) target(%dma_start3A_141 : memref<16x2048xf32, #tpu.memory_space<hbm>>) target_semaphore(%arg5 : memref<!tpu.dma_semaphore, #tpu.memory_space<semaphore_mem>>)
      %mul3A_145 = arith.constant 64 : i32
      %mul3A_146 = arith.muli %add3A, %mul3A_145 : i32
      %mul3A_147 = arith.constant 16 : i32
      %mul3A_148 = arith.muli %scan3A_7, %mul3A_147 : i32
      %add3A_149 = arith.addi %mul3A_146, %mul3A_148 : i32
      %add3A_150 = arith.constant 7 : i32
      %add3A_151 = arith.addi %add3A_149, %add3A_150 : i32
      %sub3A_152 = arith.constant 2047 : i32
      %sub3A_153 = arith.subi %sub3A_152, %add3A_151 : i32
      %rem3A_154 = arith.constant 16 : i32
      %rem3A_155 = arith.remsi %sub3A_153, %rem3A_154 : i32
      %sub3A_156 = arith.subi %sub3A_153, %rem3A_155 : i32
      %multiple_of3A_157 = tpu.assume_multiple %sub3A_156, 16 : i32
      %dma_start3A_158 = arith.constant 0 : i32
      %dma_start3A_159 = arith.constant 0 : i32
      %dma_start3A_160 = tpu.memref_slice %arg3[%dma_start3A_158, %add3A_151, %dma_start3A_159] : memref<16x2048x2048xf32, #tpu.memory_space<hbm>> -> memref<16x1x2048xf32, #tpu.memory_space<hbm>>
      %dma_start3A_161 = tpu.memref_squeeze %dma_start3A_160 : memref<16x1x2048xf32, #tpu.memory_space<hbm>> -> memref<16x2048xf32, #tpu.memory_space<hbm>>
      %dma_start3A_162 = arith.constant 0 : i32
      %dma_start3A_163 = tpu.memref_slice %arg4[%rem3A_155, %dma_start3A_162, %multiple_of3A_157] : memref<16x16x4096xf32, #tpu.memory_space<vmem_shared>> -> memref<1x16x2048xf32, #tpu.memory_space<vmem_shared>>
      %dma_start3A_164 = tpu.memref_squeeze %dma_start3A_163 : memref<1x16x2048xf32, #tpu.memory_space<vmem_shared>> -> memref<16x2048xf32, #tpu.memory_space<vmem_shared>>
      tpu.enqueue_dma source(%dma_start3A_164 : memref<16x2048xf32, #tpu.memory_space<vmem_shared>>) target(%dma_start3A_161 : memref<16x2048xf32, #tpu.memory_space<hbm>>) target_semaphore(%arg5 : memref<!tpu.dma_semaphore, #tpu.memory_space<semaphore_mem>>)
      %mul3A_165 = arith.constant 64 : i32
      %mul3A_166 = arith.muli %add3A, %mul3A_165 : i32
      %mul3A_167 = arith.constant 16 : i32
      %mul3A_168 = arith.muli %scan3A_7, %mul3A_167 : i32
      %add3A_169 = arith.addi %mul3A_166, %mul3A_168 : i32
      %add3A_170 = arith.constant 8 : i32
      %add3A_171 = arith.addi %add3A_169, %add3A_170 : i32
      %sub3A_172 = arith.constant 2047 : i32
      %sub3A_173 = arith.subi %sub3A_172, %add3A_171 : i32
      %rem3A_174 = arith.constant 16 : i32
      %rem3A_175 = arith.remsi %sub3A_173, %rem3A_174 : i32
      %sub3A_176 = arith.subi %sub3A_173, %rem3A_175 : i32
      %multiple_of3A_177 = tpu.assume_multiple %sub3A_176, 16 : i32
      %dma_start3A_178 = arith.constant 0 : i32
      %dma_start3A_179 = arith.constant 0 : i32
      %dma_start3A_180 = tpu.memref_slice %arg3[%dma_start3A_178, %add3A_171, %dma_start3A_179] : memref<16x2048x2048xf32, #tpu.memory_space<hbm>> -> memref<16x1x2048xf32, #tpu.memory_space<hbm>>
      %dma_start3A_181 = tpu.memref_squeeze %dma_start3A_180 : memref<16x1x2048xf32, #tpu.memory_space<hbm>> -> memref<16x2048xf32, #tpu.memory_space<hbm>>
      %dma_start3A_182 = arith.constant 0 : i32
      %dma_start3A_183 = tpu.memref_slice %arg4[%rem3A_175, %dma_start3A_182, %multiple_of3A_177] : memref<16x16x4096xf32, #tpu.memory_space<vmem_shared>> -> memref<1x16x2048xf32, #tpu.memory_space<vmem_shared>>
      %dma_start3A_184 = tpu.memref_squeeze %dma_start3A_183 : memref<1x16x2048xf32, #tpu.memory_space<vmem_shared>> -> memref<16x2048xf32, #tpu.memory_space<vmem_shared>>
      tpu.enqueue_dma source(%dma_start3A_184 : memref<16x2048xf32, #tpu.memory_space<vmem_shared>>) target(%dma_start3A_181 : memref<16x2048xf32, #tpu.memory_space<hbm>>) target_semaphore(%arg5 : memref<!tpu.dma_semaphore, #tpu.memory_space<semaphore_mem>>)
      %mul3A_185 = arith.constant 64 : i32
      %mul3A_186 = arith.muli %add3A, %mul3A_185 : i32
      %mul3A_187 = arith.constant 16 : i32
      %mul3A_188 = arith.muli %scan3A_7, %mul3A_187 : i32
      %add3A_189 = arith.addi %mul3A_186, %mul3A_188 : i32
      %add3A_190 = arith.constant 9 : i32
      %add3A_191 = arith.addi %add3A_189, %add3A_190 : i32
      %sub3A_192 = arith.constant 2047 : i32
      %sub3A_193 = arith.subi %sub3A_192, %add3A_191 : i32
      %rem3A_194 = arith.constant 16 : i32
      %rem3A_195 = arith.remsi %sub3A_193, %rem3A_194 : i32
      %sub3A_196 = arith.subi %sub3A_193, %rem3A_195 : i32
      %multiple_of3A_197 = tpu.assume_multiple %sub3A_196, 16 : i32
      %dma_start3A_198 = arith.constant 0 : i32
      %dma_start3A_199 = arith.constant 0 : i32
      %dma_start3A_200 = tpu.memref_slice %arg3[%dma_start3A_198, %add3A_191, %dma_start3A_199] : memref<16x2048x2048xf32, #tpu.memory_space<hbm>> -> memref<16x1x2048xf32, #tpu.memory_space<hbm>>
      %dma_start3A_201 = tpu.memref_squeeze %dma_start3A_200 : memref<16x1x2048xf32, #tpu.memory_space<hbm>> -> memref<16x2048xf32, #tpu.memory_space<hbm>>
      %dma_start3A_202 = arith.constant 0 : i32
      %dma_start3A_203 = tpu.memref_slice %arg4[%rem3A_195, %dma_start3A_202, %multiple_of3A_197] : memref<16x16x4096xf32, #tpu.memory_space<vmem_shared>> -> memref<1x16x2048xf32, #tpu.memory_space<vmem_shared>>
      %dma_start3A_204 = tpu.memref_squeeze %dma_start3A_203 : memref<1x16x2048xf32, #tpu.memory_space<vmem_shared>> -> memref<16x2048xf32, #tpu.memory_space<vmem_shared>>
      tpu.enqueue_dma source(%dma_start3A_204 : memref<16x2048xf32, #tpu.memory_space<vmem_shared>>) target(%dma_start3A_201 : memref<16x2048xf32, #tpu.memory_space<hbm>>) target_semaphore(%arg5 : memref<!tpu.dma_semaphore, #tpu.memory_space<semaphore_mem>>)
      %mul3A_205 = arith.constant 64 : i32
      %mul3A_206 = arith.muli %add3A, %mul3A_205 : i32
      %mul3A_207 = arith.constant 16 : i32
      %mul3A_208 = arith.muli %scan3A_7, %mul3A_207 : i32
      %add3A_209 = arith.addi %mul3A_206, %mul3A_208 : i32
      %add3A_210 = arith.constant 10 : i32
      %add3A_211 = arith.addi %add3A_209, %add3A_210 : i32
      %sub3A_212 = arith.constant 2047 : i32
      %sub3A_213 = arith.subi %sub3A_212, %add3A_211 : i32
      %rem3A_214 = arith.constant 16 : i32
      %rem3A_215 = arith.remsi %sub3A_213, %rem3A_214 : i32
      %sub3A_216 = arith.subi %sub3A_213, %rem3A_215 : i32
      %multiple_of3A_217 = tpu.assume_multiple %sub3A_216, 16 : i32
      %dma_start3A_218 = arith.constant 0 : i32
      %dma_start3A_219 = arith.constant 0 : i32
      %dma_start3A_220 = tpu.memref_slice %arg3[%dma_start3A_218, %add3A_211, %dma_start3A_219] : memref<16x2048x2048xf32, #tpu.memory_space<hbm>> -> memref<16x1x2048xf32, #tpu.memory_space<hbm>>
      %dma_start3A_221 = tpu.memref_squeeze %dma_start3A_220 : memref<16x1x2048xf32, #tpu.memory_space<hbm>> -> memref<16x2048xf32, #tpu.memory_space<hbm>>
      %dma_start3A_222 = arith.constant 0 : i32
      %dma_start3A_223 = tpu.memref_slice %arg4[%rem3A_215, %dma_start3A_222, %multiple_of3A_217] : memref<16x16x4096xf32, #tpu.memory_space<vmem_shared>> -> memref<1x16x2048xf32, #tpu.memory_space<vmem_shared>>
      %dma_start3A_224 = tpu.memref_squeeze %dma_start3A_223 : memref<1x16x2048xf32, #tpu.memory_space<vmem_shared>> -> memref<16x2048xf32, #tpu.memory_space<vmem_shared>>
      tpu.enqueue_dma source(%dma_start3A_224 : memref<16x2048xf32, #tpu.memory_space<vmem_shared>>) target(%dma_start3A_221 : memref<16x2048xf32, #tpu.memory_space<hbm>>) target_semaphore(%arg5 : memref<!tpu.dma_semaphore, #tpu.memory_space<semaphore_mem>>)
      %mul3A_225 = arith.constant 64 : i32
      %mul3A_226 = arith.muli %add3A, %mul3A_225 : i32
      %mul3A_227 = arith.constant 16 : i32
      %mul3A_228 = arith.muli %scan3A_7, %mul3A_227 : i32
      %add3A_229 = arith.addi %mul3A_226, %mul3A_228 : i32
      %add3A_230 = arith.constant 11 : i32
      %add3A_231 = arith.addi %add3A_229, %add3A_230 : i32
      %sub3A_232 = arith.constant 2047 : i32
      %sub3A_233 = arith.subi %sub3A_232, %add3A_231 : i32
      %rem3A_234 = arith.constant 16 : i32
      %rem3A_235 = arith.remsi %sub3A_233, %rem3A_234 : i32
      %sub3A_236 = arith.subi %sub3A_233, %rem3A_235 : i32
      %multiple_of3A_237 = tpu.assume_multiple %sub3A_236, 16 : i32
      %dma_start3A_238 = arith.constant 0 : i32
      %dma_start3A_239 = arith.constant 0 : i32
      %dma_start3A_240 = tpu.memref_slice %arg3[%dma_start3A_238, %add3A_231, %dma_start3A_239] : memref<16x2048x2048xf32, #tpu.memory_space<hbm>> -> memref<16x1x2048xf32, #tpu.memory_space<hbm>>
      %dma_start3A_241 = tpu.memref_squeeze %dma_start3A_240 : memref<16x1x2048xf32, #tpu.memory_space<hbm>> -> memref<16x2048xf32, #tpu.memory_space<hbm>>
      %dma_start3A_242 = arith.constant 0 : i32
      %dma_start3A_243 = tpu.memref_slice %arg4[%rem3A_235, %dma_start3A_242, %multiple_of3A_237] : memref<16x16x4096xf32, #tpu.memory_space<vmem_shared>> -> memref<1x16x2048xf32, #tpu.memory_space<vmem_shared>>
      %dma_start3A_244 = tpu.memref_squeeze %dma_start3A_243 : memref<1x16x2048xf32, #tpu.memory_space<vmem_shared>> -> memref<16x2048xf32, #tpu.memory_space<vmem_shared>>
      tpu.enqueue_dma source(%dma_start3A_244 : memref<16x2048xf32, #tpu.memory_space<vmem_shared>>) target(%dma_start3A_241 : memref<16x2048xf32, #tpu.memory_space<hbm>>) target_semaphore(%arg5 : memref<!tpu.dma_semaphore, #tpu.memory_space<semaphore_mem>>)
      %mul3A_245 = arith.constant 64 : i32
      %mul3A_246 = arith.muli %add3A, %mul3A_245 : i32
      %mul3A_247 = arith.constant 16 : i32
      %mul3A_248 = arith.muli %scan3A_7, %mul3A_247 : i32
      %add3A_249 = arith.addi %mul3A_246, %mul3A_248 : i32
      %add3A_250 = arith.constant 12 : i32
      %add3A_251 = arith.addi %add3A_249, %add3A_250 : i32
      %sub3A_252 = arith.constant 2047 : i32
      %sub3A_253 = arith.subi %sub3A_252, %add3A_251 : i32
      %rem3A_254 = arith.constant 16 : i32
      %rem3A_255 = arith.remsi %sub3A_253, %rem3A_254 : i32
      %sub3A_256 = arith.subi %sub3A_253, %rem3A_255 : i32
      %multiple_of3A_257 = tpu.assume_multiple %sub3A_256, 16 : i32
      %dma_start3A_258 = arith.constant 0 : i32
      %dma_start3A_259 = arith.constant 0 : i32
      %dma_start3A_260 = tpu.memref_slice %arg3[%dma_start3A_258, %add3A_251, %dma_start3A_259] : memref<16x2048x2048xf32, #tpu.memory_space<hbm>> -> memref<16x1x2048xf32, #tpu.memory_space<hbm>>
      %dma_start3A_261 = tpu.memref_squeeze %dma_start3A_260 : memref<16x1x2048xf32, #tpu.memory_space<hbm>> -> memref<16x2048xf32, #tpu.memory_space<hbm>>
      %dma_start3A_262 = arith.constant 0 : i32
      %dma_start3A_263 = tpu.memref_slice %arg4[%rem3A_255, %dma_start3A_262, %multiple_of3A_257] : memref<16x16x4096xf32, #tpu.memory_space<vmem_shared>> -> memref<1x16x2048xf32, #tpu.memory_space<vmem_shared>>
      %dma_start3A_264 = tpu.memref_squeeze %dma_start3A_263 : memref<1x16x2048xf32, #tpu.memory_space<vmem_shared>> -> memref<16x2048xf32, #tpu.memory_space<vmem_shared>>
      tpu.enqueue_dma source(%dma_start3A_264 : memref<16x2048xf32, #tpu.memory_space<vmem_shared>>) target(%dma_start3A_261 : memref<16x2048xf32, #tpu.memory_space<hbm>>) target_semaphore(%arg5 : memref<!tpu.dma_semaphore, #tpu.memory_space<semaphore_mem>>)
      %mul3A_265 = arith.constant 64 : i32
      %mul3A_266 = arith.muli %add3A, %mul3A_265 : i32
      %mul3A_267 = arith.constant 16 : i32
      %mul3A_268 = arith.muli %scan3A_7, %mul3A_267 : i32
      %add3A_269 = arith.addi %mul3A_266, %mul3A_268 : i32
      %add3A_270 = arith.constant 13 : i32
      %add3A_271 = arith.addi %add3A_269, %add3A_270 : i32
      %sub3A_272 = arith.constant 2047 : i32
      %sub3A_273 = arith.subi %sub3A_272, %add3A_271 : i32
      %rem3A_274 = arith.constant 16 : i32
      %rem3A_275 = arith.remsi %sub3A_273, %rem3A_274 : i32
      %sub3A_276 = arith.subi %sub3A_273, %rem3A_275 : i32
      %multiple_of3A_277 = tpu.assume_multiple %sub3A_276, 16 : i32
      %dma_start3A_278 = arith.constant 0 : i32
      %dma_start3A_279 = arith.constant 0 : i32
      %dma_start3A_280 = tpu.memref_slice %arg3[%dma_start3A_278, %add3A_271, %dma_start3A_279] : memref<16x2048x2048xf32, #tpu.memory_space<hbm>> -> memref<16x1x2048xf32, #tpu.memory_space<hbm>>
      %dma_start3A_281 = tpu.memref_squeeze %dma_start3A_280 : memref<16x1x2048xf32, #tpu.memory_space<hbm>> -> memref<16x2048xf32, #tpu.memory_space<hbm>>
      %dma_start3A_282 = arith.constant 0 : i32
      %dma_start3A_283 = tpu.memref_slice %arg4[%rem3A_275, %dma_start3A_282, %multiple_of3A_277] : memref<16x16x4096xf32, #tpu.memory_space<vmem_shared>> -> memref<1x16x2048xf32, #tpu.memory_space<vmem_shared>>
      %dma_start3A_284 = tpu.memref_squeeze %dma_start3A_283 : memref<1x16x2048xf32, #tpu.memory_space<vmem_shared>> -> memref<16x2048xf32, #tpu.memory_space<vmem_shared>>
      tpu.enqueue_dma source(%dma_start3A_284 : memref<16x2048xf32, #tpu.memory_space<vmem_shared>>) target(%dma_start3A_281 : memref<16x2048xf32, #tpu.memory_space<hbm>>) target_semaphore(%arg5 : memref<!tpu.dma_semaphore, #tpu.memory_space<semaphore_mem>>)
      %mul3A_285 = arith.constant 64 : i32
      %mul3A_286 = arith.muli %add3A, %mul3A_285 : i32
      %mul3A_287 = arith.constant 16 : i32
      %mul3A_288 = arith.muli %scan3A_7, %mul3A_287 : i32
      %add3A_289 = arith.addi %mul3A_286, %mul3A_288 : i32
      %add3A_290 = arith.constant 14 : i32
      %add3A_291 = arith.addi %add3A_289, %add3A_290 : i32
      %sub3A_292 = arith.constant 2047 : i32
      %sub3A_293 = arith.subi %sub3A_292, %add3A_291 : i32
      %rem3A_294 = arith.constant 16 : i32
      %rem3A_295 = arith.remsi %sub3A_293, %rem3A_294 : i32
      %sub3A_296 = arith.subi %sub3A_293, %rem3A_295 : i32
      %multiple_of3A_297 = tpu.assume_multiple %sub3A_296, 16 : i32
      %dma_start3A_298 = arith.constant 0 : i32
      %dma_start3A_299 = arith.constant 0 : i32
      %dma_start3A_300 = tpu.memref_slice %arg3[%dma_start3A_298, %add3A_291, %dma_start3A_299] : memref<16x2048x2048xf32, #tpu.memory_space<hbm>> -> memref<16x1x2048xf32, #tpu.memory_space<hbm>>
      %dma_start3A_301 = tpu.memref_squeeze %dma_start3A_300 : memref<16x1x2048xf32, #tpu.memory_space<hbm>> -> memref<16x2048xf32, #tpu.memory_space<hbm>>
      %dma_start3A_302 = arith.constant 0 : i32
      %dma_start3A_303 = tpu.memref_slice %arg4[%rem3A_295, %dma_start3A_302, %multiple_of3A_297] : memref<16x16x4096xf32, #tpu.memory_space<vmem_shared>> -> memref<1x16x2048xf32, #tpu.memory_space<vmem_shared>>
      %dma_start3A_304 = tpu.memref_squeeze %dma_start3A_303 : memref<1x16x2048xf32, #tpu.memory_space<vmem_shared>> -> memref<16x2048xf32, #tpu.memory_space<vmem_shared>>
      tpu.enqueue_dma source(%dma_start3A_304 : memref<16x2048xf32, #tpu.memory_space<vmem_shared>>) target(%dma_start3A_301 : memref<16x2048xf32, #tpu.memory_space<hbm>>) target_semaphore(%arg5 : memref<!tpu.dma_semaphore, #tpu.memory_space<semaphore_mem>>)
      %mul3A_305 = arith.constant 64 : i32
      %mul3A_306 = arith.muli %add3A, %mul3A_305 : i32
      %mul3A_307 = arith.constant 16 : i32
      %mul3A_308 = arith.muli %scan3A_7, %mul3A_307 : i32
      %add3A_309 = arith.addi %mul3A_306, %mul3A_308 : i32
      %add3A_310 = arith.constant 15 : i32
      %add3A_311 = arith.addi %add3A_309, %add3A_310 : i32
      %sub3A_312 = arith.constant 2047 : i32
      %sub3A_313 = arith.subi %sub3A_312, %add3A_311 : i32
      %rem3A_314 = arith.constant 16 : i32
      %rem3A_315 = arith.remsi %sub3A_313, %rem3A_314 : i32
      %sub3A_316 = arith.subi %sub3A_313, %rem3A_315 : i32
      %multiple_of3A_317 = tpu.assume_multiple %sub3A_316, 16 : i32
      %dma_start3A_318 = arith.constant 0 : i32
      %dma_start3A_319 = arith.constant 0 : i32
      %dma_start3A_320 = tpu.memref_slice %arg3[%dma_start3A_318, %add3A_311, %dma_start3A_319] : memref<16x2048x2048xf32, #tpu.memory_space<hbm>> -> memref<16x1x2048xf32, #tpu.memory_space<hbm>>
      %dma_start3A_321 = tpu.memref_squeeze %dma_start3A_320 : memref<16x1x2048xf32, #tpu.memory_space<hbm>> -> memref<16x2048xf32, #tpu.memory_space<hbm>>
      %dma_start3A_322 = arith.constant 0 : i32
      %dma_start3A_323 = tpu.memref_slice %arg4[%rem3A_315, %dma_start3A_322, %multiple_of3A_317] : memref<16x16x4096xf32, #tpu.memory_space<vmem_shared>> -> memref<1x16x2048xf32, #tpu.memory_space<vmem_shared>>
      %dma_start3A_324 = tpu.memref_squeeze %dma_start3A_323 : memref<1x16x2048xf32, #tpu.memory_space<vmem_shared>> -> memref<16x2048xf32, #tpu.memory_space<vmem_shared>>
      tpu.enqueue_dma source(%dma_start3A_324 : memref<16x2048xf32, #tpu.memory_space<vmem_shared>>) target(%dma_start3A_321 : memref<16x2048xf32, #tpu.memory_space<hbm>>) target_semaphore(%arg5 : memref<!tpu.dma_semaphore, #tpu.memory_space<semaphore_mem>>)
      %dma_wait3A = arith.constant 0 : i32
      %dma_wait3A_325 = arith.constant 0 : i32
      %dma_wait3A_326 = tpu.memref_slice %arg3[%dma_wait3A, %add3A_15, %dma_wait3A_325] : memref<16x2048x2048xf32, #tpu.memory_space<hbm>> -> memref<16x1x2048xf32, #tpu.memory_space<hbm>>
      %dma_wait3A_327 = tpu.memref_squeeze %dma_wait3A_326 : memref<16x1x2048xf32, #tpu.memory_space<hbm>> -> memref<16x2048xf32, #tpu.memory_space<hbm>>
      %dma_wait3A_328 = arith.constant 0 : i32
      %dma_wait3A_329 = tpu.memref_slice %arg4[%rem3A_17, %dma_wait3A_328, %multiple_of3A] : memref<16x16x4096xf32, #tpu.memory_space<vmem_shared>> -> memref<1x16x2048xf32, #tpu.memory_space<vmem_shared>>
      %dma_wait3A_330 = tpu.memref_squeeze %dma_wait3A_329 : memref<1x16x2048xf32, #tpu.memory_space<vmem_shared>> -> memref<16x2048xf32, #tpu.memory_space<vmem_shared>>
      tpu.wait_dma2 semaphore(%arg5 : memref<!tpu.dma_semaphore, #tpu.memory_space<semaphore_mem>>) src(%dma_wait3A_330 : memref<16x2048xf32, #tpu.memory_space<vmem_shared>>) dst(%dma_wait3A_327 : memref<16x2048xf32, #tpu.memory_space<hbm>>)
      %dma_wait3A_331 = arith.constant 0 : i32
      %dma_wait3A_332 = arith.constant 0 : i32
      %dma_wait3A_333 = tpu.memref_slice %arg3[%dma_wait3A_331, %add3A_31, %dma_wait3A_332] : memref<16x2048x2048xf32, #tpu.memory_space<hbm>> -> memref<16x1x2048xf32, #tpu.memory_space<hbm>>
      %dma_wait3A_334 = tpu.memref_squeeze %dma_wait3A_333 : memref<16x1x2048xf32, #tpu.memory_space<hbm>> -> memref<16x2048xf32, #tpu.memory_space<hbm>>
      %dma_wait3A_335 = arith.constant 0 : i32
      %dma_wait3A_336 = tpu.memref_slice %arg4[%rem3A_35, %dma_wait3A_335, %multiple_of3A_37] : memref<16x16x4096xf32, #tpu.memory_space<vmem_shared>> -> memref<1x16x2048xf32, #tpu.memory_space<vmem_shared>>
      %dma_wait3A_337 = tpu.memref_squeeze %dma_wait3A_336 : memref<1x16x2048xf32, #tpu.memory_space<vmem_shared>> -> memref<16x2048xf32, #tpu.memory_space<vmem_shared>>
      tpu.wait_dma2 semaphore(%arg5 : memref<!tpu.dma_semaphore, #tpu.memory_space<semaphore_mem>>) src(%dma_wait3A_337 : memref<16x2048xf32, #tpu.memory_space<vmem_shared>>) dst(%dma_wait3A_334 : memref<16x2048xf32, #tpu.memory_space<hbm>>)
      %dma_wait3A_338 = arith.constant 0 : i32
      %dma_wait3A_339 = arith.constant 0 : i32
      %dma_wait3A_340 = tpu.memref_slice %arg3[%dma_wait3A_338, %add3A_51, %dma_wait3A_339] : memref<16x2048x2048xf32, #tpu.memory_space<hbm>> -> memref<16x1x2048xf32, #tpu.memory_space<hbm>>
      %dma_wait3A_341 = tpu.memref_squeeze %dma_wait3A_340 : memref<16x1x2048xf32, #tpu.memory_space<hbm>> -> memref<16x2048xf32, #tpu.memory_space<hbm>>
      %dma_wait3A_342 = arith.constant 0 : i32
      %dma_wait3A_343 = tpu.memref_slice %arg4[%rem3A_55, %dma_wait3A_342, %multiple_of3A_57] : memref<16x16x4096xf32, #tpu.memory_space<vmem_shared>> -> memref<1x16x2048xf32, #tpu.memory_space<vmem_shared>>
      %dma_wait3A_344 = tpu.memref_squeeze %dma_wait3A_343 : memref<1x16x2048xf32, #tpu.memory_space<vmem_shared>> -> memref<16x2048xf32, #tpu.memory_space<vmem_shared>>
      tpu.wait_dma2 semaphore(%arg5 : memref<!tpu.dma_semaphore, #tpu.memory_space<semaphore_mem>>) src(%dma_wait3A_344 : memref<16x2048xf32, #tpu.memory_space<vmem_shared>>) dst(%dma_wait3A_341 : memref<16x2048xf32, #tpu.memory_space<hbm>>)
      %dma_wait3A_345 = arith.constant 0 : i32
      %dma_wait3A_346 = arith.constant 0 : i32
      %dma_wait3A_347 = tpu.memref_slice %arg3[%dma_wait3A_345, %add3A_71, %dma_wait3A_346] : memref<16x2048x2048xf32, #tpu.memory_space<hbm>> -> memref<16x1x2048xf32, #tpu.memory_space<hbm>>
      %dma_wait3A_348 = tpu.memref_squeeze %dma_wait3A_347 : memref<16x1x2048xf32, #tpu.memory_space<hbm>> -> memref<16x2048xf32, #tpu.memory_space<hbm>>
      %dma_wait3A_349 = arith.constant 0 : i32
      %dma_wait3A_350 = tpu.memref_slice %arg4[%rem3A_75, %dma_wait3A_349, %multiple_of3A_77] : memref<16x16x4096xf32, #tpu.memory_space<vmem_shared>> -> memref<1x16x2048xf32, #tpu.memory_space<vmem_shared>>
      %dma_wait3A_351 = tpu.memref_squeeze %dma_wait3A_350 : memref<1x16x2048xf32, #tpu.memory_space<vmem_shared>> -> memref<16x2048xf32, #tpu.memory_space<vmem_shared>>
      tpu.wait_dma2 semaphore(%arg5 : memref<!tpu.dma_semaphore, #tpu.memory_space<semaphore_mem>>) src(%dma_wait3A_351 : memref<16x2048xf32, #tpu.memory_space<vmem_shared>>) dst(%dma_wait3A_348 : memref<16x2048xf32, #tpu.memory_space<hbm>>)
      %dma_wait3A_352 = arith.constant 0 : i32
      %dma_wait3A_353 = arith.constant 0 : i32
      %dma_wait3A_354 = tpu.memref_slice %arg3[%dma_wait3A_352, %add3A_91, %dma_wait3A_353] : memref<16x2048x2048xf32, #tpu.memory_space<hbm>> -> memref<16x1x2048xf32, #tpu.memory_space<hbm>>
      %dma_wait3A_355 = tpu.memref_squeeze %dma_wait3A_354 : memref<16x1x2048xf32, #tpu.memory_space<hbm>> -> memref<16x2048xf32, #tpu.memory_space<hbm>>
      %dma_wait3A_356 = arith.constant 0 : i32
      %dma_wait3A_357 = tpu.memref_slice %arg4[%rem3A_95, %dma_wait3A_356, %multiple_of3A_97] : memref<16x16x4096xf32, #tpu.memory_space<vmem_shared>> -> memref<1x16x2048xf32, #tpu.memory_space<vmem_shared>>
      %dma_wait3A_358 = tpu.memref_squeeze %dma_wait3A_357 : memref<1x16x2048xf32, #tpu.memory_space<vmem_shared>> -> memref<16x2048xf32, #tpu.memory_space<vmem_shared>>
      tpu.wait_dma2 semaphore(%arg5 : memref<!tpu.dma_semaphore, #tpu.memory_space<semaphore_mem>>) src(%dma_wait3A_358 : memref<16x2048xf32, #tpu.memory_space<vmem_shared>>) dst(%dma_wait3A_355 : memref<16x2048xf32, #tpu.memory_space<hbm>>)
      %dma_wait3A_359 = arith.constant 0 : i32
      %dma_wait3A_360 = arith.constant 0 : i32
      %dma_wait3A_361 = tpu.memref_slice %arg3[%dma_wait3A_359, %add3A_111, %dma_wait3A_360] : memref<16x2048x2048xf32, #tpu.memory_space<hbm>> -> memref<16x1x2048xf32, #tpu.memory_space<hbm>>
      %dma_wait3A_362 = tpu.memref_squeeze %dma_wait3A_361 : memref<16x1x2048xf32, #tpu.memory_space<hbm>> -> memref<16x2048xf32, #tpu.memory_space<hbm>>
      %dma_wait3A_363 = arith.constant 0 : i32
      %dma_wait3A_364 = tpu.memref_slice %arg4[%rem3A_115, %dma_wait3A_363, %multiple_of3A_117] : memref<16x16x4096xf32, #tpu.memory_space<vmem_shared>> -> memref<1x16x2048xf32, #tpu.memory_space<vmem_shared>>
      %dma_wait3A_365 = tpu.memref_squeeze %dma_wait3A_364 : memref<1x16x2048xf32, #tpu.memory_space<vmem_shared>> -> memref<16x2048xf32, #tpu.memory_space<vmem_shared>>
      tpu.wait_dma2 semaphore(%arg5 : memref<!tpu.dma_semaphore, #tpu.memory_space<semaphore_mem>>) src(%dma_wait3A_365 : memref<16x2048xf32, #tpu.memory_space<vmem_shared>>) dst(%dma_wait3A_362 : memref<16x2048xf32, #tpu.memory_space<hbm>>)
      %dma_wait3A_366 = arith.constant 0 : i32
      %dma_wait3A_367 = arith.constant 0 : i32
      %dma_wait3A_368 = tpu.memref_slice %arg3[%dma_wait3A_366, %add3A_131, %dma_wait3A_367] : memref<16x2048x2048xf32, #tpu.memory_space<hbm>> -> memref<16x1x2048xf32, #tpu.memory_space<hbm>>
      %dma_wait3A_369 = tpu.memref_squeeze %dma_wait3A_368 : memref<16x1x2048xf32, #tpu.memory_space<hbm>> -> memref<16x2048xf32, #tpu.memory_space<hbm>>
      %dma_wait3A_370 = arith.constant 0 : i32
      %dma_wait3A_371 = tpu.memref_slice %arg4[%rem3A_135, %dma_wait3A_370, %multiple_of3A_137] : memref<16x16x4096xf32, #tpu.memory_space<vmem_shared>> -> memref<1x16x2048xf32, #tpu.memory_space<vmem_shared>>
      %dma_wait3A_372 = tpu.memref_squeeze %dma_wait3A_371 : memref<1x16x2048xf32, #tpu.memory_space<vmem_shared>> -> memref<16x2048xf32, #tpu.memory_space<vmem_shared>>
      tpu.wait_dma2 semaphore(%arg5 : memref<!tpu.dma_semaphore, #tpu.memory_space<semaphore_mem>>) src(%dma_wait3A_372 : memref<16x2048xf32, #tpu.memory_space<vmem_shared>>) dst(%dma_wait3A_369 : memref<16x2048xf32, #tpu.memory_space<hbm>>)
      %dma_wait3A_373 = arith.constant 0 : i32
      %dma_wait3A_374 = arith.constant 0 : i32
      %dma_wait3A_375 = tpu.memref_slice %arg3[%dma_wait3A_373, %add3A_151, %dma_wait3A_374] : memref<16x2048x2048xf32, #tpu.memory_space<hbm>> -> memref<16x1x2048xf32, #tpu.memory_space<hbm>>
      %dma_wait3A_376 = tpu.memref_squeeze %dma_wait3A_375 : memref<16x1x2048xf32, #tpu.memory_space<hbm>> -> memref<16x2048xf32, #tpu.memory_space<hbm>>
      %dma_wait3A_377 = arith.constant 0 : i32
      %dma_wait3A_378 = tpu.memref_slice %arg4[%rem3A_155, %dma_wait3A_377, %multiple_of3A_157] : memref<16x16x4096xf32, #tpu.memory_space<vmem_shared>> -> memref<1x16x2048xf32, #tpu.memory_space<vmem_shared>>
      %dma_wait3A_379 = tpu.memref_squeeze %dma_wait3A_378 : memref<1x16x2048xf32, #tpu.memory_space<vmem_shared>> -> memref<16x2048xf32, #tpu.memory_space<vmem_shared>>
      tpu.wait_dma2 semaphore(%arg5 : memref<!tpu.dma_semaphore, #tpu.memory_space<semaphore_mem>>) src(%dma_wait3A_379 : memref<16x2048xf32, #tpu.memory_space<vmem_shared>>) dst(%dma_wait3A_376 : memref<16x2048xf32, #tpu.memory_space<hbm>>)
      %dma_wait3A_380 = arith.constant 0 : i32
      %dma_wait3A_381 = arith.constant 0 : i32
      %dma_wait3A_382 = tpu.memref_slice %arg3[%dma_wait3A_380, %add3A_171, %dma_wait3A_381] : memref<16x2048x2048xf32, #tpu.memory_space<hbm>> -> memref<16x1x2048xf32, #tpu.memory_space<hbm>>
      %dma_wait3A_383 = tpu.memref_squeeze %dma_wait3A_382 : memref<16x1x2048xf32, #tpu.memory_space<hbm>> -> memref<16x2048xf32, #tpu.memory_space<hbm>>
      %dma_wait3A_384 = arith.constant 0 : i32
      %dma_wait3A_385 = tpu.memref_slice %arg4[%rem3A_175, %dma_wait3A_384, %multiple_of3A_177] : memref<16x16x4096xf32, #tpu.memory_space<vmem_shared>> -> memref<1x16x2048xf32, #tpu.memory_space<vmem_shared>>
      %dma_wait3A_386 = tpu.memref_squeeze %dma_wait3A_385 : memref<1x16x2048xf32, #tpu.memory_space<vmem_shared>> -> memref<16x2048xf32, #tpu.memory_space<vmem_shared>>
      tpu.wait_dma2 semaphore(%arg5 : memref<!tpu.dma_semaphore, #tpu.memory_space<semaphore_mem>>) src(%dma_wait3A_386 : memref<16x2048xf32, #tpu.memory_space<vmem_shared>>) dst(%dma_wait3A_383 : memref<16x2048xf32, #tpu.memory_space<hbm>>)
      %dma_wait3A_387 = arith.constant 0 : i32
      %dma_wait3A_388 = arith.constant 0 : i32
      %dma_wait3A_389 = tpu.memref_slice %arg3[%dma_wait3A_387, %add3A_191, %dma_wait3A_388] : memref<16x2048x2048xf32, #tpu.memory_space<hbm>> -> memref<16x1x2048xf32, #tpu.memory_space<hbm>>
      %dma_wait3A_390 = tpu.memref_squeeze %dma_wait3A_389 : memref<16x1x2048xf32, #tpu.memory_space<hbm>> -> memref<16x2048xf32, #tpu.memory_space<hbm>>
      %dma_wait3A_391 = arith.constant 0 : i32
      %dma_wait3A_392 = tpu.memref_slice %arg4[%rem3A_195, %dma_wait3A_391, %multiple_of3A_197] : memref<16x16x4096xf32, #tpu.memory_space<vmem_shared>> -> memref<1x16x2048xf32, #tpu.memory_space<vmem_shared>>
      %dma_wait3A_393 = tpu.memref_squeeze %dma_wait3A_392 : memref<1x16x2048xf32, #tpu.memory_space<vmem_shared>> -> memref<16x2048xf32, #tpu.memory_space<vmem_shared>>
      tpu.wait_dma2 semaphore(%arg5 : memref<!tpu.dma_semaphore, #tpu.memory_space<semaphore_mem>>) src(%dma_wait3A_393 : memref<16x2048xf32, #tpu.memory_space<vmem_shared>>) dst(%dma_wait3A_390 : memref<16x2048xf32, #tpu.memory_space<hbm>>)
      %dma_wait3A_394 = arith.constant 0 : i32
      %dma_wait3A_395 = arith.constant 0 : i32
      %dma_wait3A_396 = tpu.memref_slice %arg3[%dma_wait3A_394, %add3A_211, %dma_wait3A_395] : memref<16x2048x2048xf32, #tpu.memory_space<hbm>> -> memref<16x1x2048xf32, #tpu.memory_space<hbm>>
      %dma_wait3A_397 = tpu.memref_squeeze %dma_wait3A_396 : memref<16x1x2048xf32, #tpu.memory_space<hbm>> -> memref<16x2048xf32, #tpu.memory_space<hbm>>
      %dma_wait3A_398 = arith.constant 0 : i32
      %dma_wait3A_399 = tpu.memref_slice %arg4[%rem3A_215, %dma_wait3A_398, %multiple_of3A_217] : memref<16x16x4096xf32, #tpu.memory_space<vmem_shared>> -> memref<1x16x2048xf32, #tpu.memory_space<vmem_shared>>
      %dma_wait3A_400 = tpu.memref_squeeze %dma_wait3A_399 : memref<1x16x2048xf32, #tpu.memory_space<vmem_shared>> -> memref<16x2048xf32, #tpu.memory_space<vmem_shared>>
      tpu.wait_dma2 semaphore(%arg5 : memref<!tpu.dma_semaphore, #tpu.memory_space<semaphore_mem>>) src(%dma_wait3A_400 : memref<16x2048xf32, #tpu.memory_space<vmem_shared>>) dst(%dma_wait3A_397 : memref<16x2048xf32, #tpu.memory_space<hbm>>)
      %dma_wait3A_401 = arith.constant 0 : i32
      %dma_wait3A_402 = arith.constant 0 : i32
      %dma_wait3A_403 = tpu.memref_slice %arg3[%dma_wait3A_401, %add3A_231, %dma_wait3A_402] : memref<16x2048x2048xf32, #tpu.memory_space<hbm>> -> memref<16x1x2048xf32, #tpu.memory_space<hbm>>
      %dma_wait3A_404 = tpu.memref_squeeze %dma_wait3A_403 : memref<16x1x2048xf32, #tpu.memory_space<hbm>> -> memref<16x2048xf32, #tpu.memory_space<hbm>>
      %dma_wait3A_405 = arith.constant 0 : i32
      %dma_wait3A_406 = tpu.memref_slice %arg4[%rem3A_235, %dma_wait3A_405, %multiple_of3A_237] : memref<16x16x4096xf32, #tpu.memory_space<vmem_shared>> -> memref<1x16x2048xf32, #tpu.memory_space<vmem_shared>>
      %dma_wait3A_407 = tpu.memref_squeeze %dma_wait3A_406 : memref<1x16x2048xf32, #tpu.memory_space<vmem_shared>> -> memref<16x2048xf32, #tpu.memory_space<vmem_shared>>
      tpu.wait_dma2 semaphore(%arg5 : memref<!tpu.dma_semaphore, #tpu.memory_space<semaphore_mem>>) src(%dma_wait3A_407 : memref<16x2048xf32, #tpu.memory_space<vmem_shared>>) dst(%dma_wait3A_404 : memref<16x2048xf32, #tpu.memory_space<hbm>>)
      %dma_wait3A_408 = arith.constant 0 : i32
      %dma_wait3A_409 = arith.constant 0 : i32
      %dma_wait3A_410 = tpu.memref_slice %arg3[%dma_wait3A_408, %add3A_251, %dma_wait3A_409] : memref<16x2048x2048xf32, #tpu.memory_space<hbm>> -> memref<16x1x2048xf32, #tpu.memory_space<hbm>>
      %dma_wait3A_411 = tpu.memref_squeeze %dma_wait3A_410 : memref<16x1x2048xf32, #tpu.memory_space<hbm>> -> memref<16x2048xf32, #tpu.memory_space<hbm>>
      %dma_wait3A_412 = arith.constant 0 : i32
      %dma_wait3A_413 = tpu.memref_slice %arg4[%rem3A_255, %dma_wait3A_412, %multiple_of3A_257] : memref<16x16x4096xf32, #tpu.memory_space<vmem_shared>> -> memref<1x16x2048xf32, #tpu.memory_space<vmem_shared>>
      %dma_wait3A_414 = tpu.memref_squeeze %dma_wait3A_413 : memref<1x16x2048xf32, #tpu.memory_space<vmem_shared>> -> memref<16x2048xf32, #tpu.memory_space<vmem_shared>>
      tpu.wait_dma2 semaphore(%arg5 : memref<!tpu.dma_semaphore, #tpu.memory_space<semaphore_mem>>) src(%dma_wait3A_414 : memref<16x2048xf32, #tpu.memory_space<vmem_shared>>) dst(%dma_wait3A_411 : memref<16x2048xf32, #tpu.memory_space<hbm>>)
      %dma_wait3A_415 = arith.constant 0 : i32
      %dma_wait3A_416 = arith.constant 0 : i32
      %dma_wait3A_417 = tpu.memref_slice %arg3[%dma_wait3A_415, %add3A_271, %dma_wait3A_416] : memref<16x2048x2048xf32, #tpu.memory_space<hbm>> -> memref<16x1x2048xf32, #tpu.memory_space<hbm>>
      %dma_wait3A_418 = tpu.memref_squeeze %dma_wait3A_417 : memref<16x1x2048xf32, #tpu.memory_space<hbm>> -> memref<16x2048xf32, #tpu.memory_space<hbm>>
      %dma_wait3A_419 = arith.constant 0 : i32
      %dma_wait3A_420 = tpu.memref_slice %arg4[%rem3A_275, %dma_wait3A_419, %multiple_of3A_277] : memref<16x16x4096xf32, #tpu.memory_space<vmem_shared>> -> memref<1x16x2048xf32, #tpu.memory_space<vmem_shared>>
      %dma_wait3A_421 = tpu.memref_squeeze %dma_wait3A_420 : memref<1x16x2048xf32, #tpu.memory_space<vmem_shared>> -> memref<16x2048xf32, #tpu.memory_space<vmem_shared>>
      tpu.wait_dma2 semaphore(%arg5 : memref<!tpu.dma_semaphore, #tpu.memory_space<semaphore_mem>>) src(%dma_wait3A_421 : memref<16x2048xf32, #tpu.memory_space<vmem_shared>>) dst(%dma_wait3A_418 : memref<16x2048xf32, #tpu.memory_space<hbm>>)
      %dma_wait3A_422 = arith.constant 0 : i32
      %dma_wait3A_423 = arith.constant 0 : i32
      %dma_wait3A_424 = tpu.memref_slice %arg3[%dma_wait3A_422, %add3A_291, %dma_wait3A_423] : memref<16x2048x2048xf32, #tpu.memory_space<hbm>> -> memref<16x1x2048xf32, #tpu.memory_space<hbm>>
      %dma_wait3A_425 = tpu.memref_squeeze %dma_wait3A_424 : memref<16x1x2048xf32, #tpu.memory_space<hbm>> -> memref<16x2048xf32, #tpu.memory_space<hbm>>
      %dma_wait3A_426 = arith.constant 0 : i32
      %dma_wait3A_427 = tpu.memref_slice %arg4[%rem3A_295, %dma_wait3A_426, %multiple_of3A_297] : memref<16x16x4096xf32, #tpu.memory_space<vmem_shared>> -> memref<1x16x2048xf32, #tpu.memory_space<vmem_shared>>
      %dma_wait3A_428 = tpu.memref_squeeze %dma_wait3A_427 : memref<1x16x2048xf32, #tpu.memory_space<vmem_shared>> -> memref<16x2048xf32, #tpu.memory_space<vmem_shared>>
      tpu.wait_dma2 semaphore(%arg5 : memref<!tpu.dma_semaphore, #tpu.memory_space<semaphore_mem>>) src(%dma_wait3A_428 : memref<16x2048xf32, #tpu.memory_space<vmem_shared>>) dst(%dma_wait3A_425 : memref<16x2048xf32, #tpu.memory_space<hbm>>)
      %dma_wait3A_429 = arith.constant 0 : i32
      %dma_wait3A_430 = arith.constant 0 : i32
      %dma_wait3A_431 = tpu.memref_slice %arg3[%dma_wait3A_429, %add3A_311, %dma_wait3A_430] : memref<16x2048x2048xf32, #tpu.memory_space<hbm>> -> memref<16x1x2048xf32, #tpu.memory_space<hbm>>
      %dma_wait3A_432 = tpu.memref_squeeze %dma_wait3A_431 : memref<16x1x2048xf32, #tpu.memory_space<hbm>> -> memref<16x2048xf32, #tpu.memory_space<hbm>>
      %dma_wait3A_433 = arith.constant 0 : i32
      %dma_wait3A_434 = tpu.memref_slice %arg4[%rem3A_315, %dma_wait3A_433, %multiple_of3A_317] : memref<16x16x4096xf32, #tpu.memory_space<vmem_shared>> -> memref<1x16x2048xf32, #tpu.memory_space<vmem_shared>>
      %dma_wait3A_435 = tpu.memref_squeeze %dma_wait3A_434 : memref<1x16x2048xf32, #tpu.memory_space<vmem_shared>> -> memref<16x2048xf32, #tpu.memory_space<vmem_shared>>
      tpu.wait_dma2 semaphore(%arg5 : memref<!tpu.dma_semaphore, #tpu.memory_space<semaphore_mem>>) src(%dma_wait3A_435 : memref<16x2048xf32, #tpu.memory_space<vmem_shared>>) dst(%dma_wait3A_432 : memref<16x2048xf32, #tpu.memory_space<hbm>>)
      %scan3A_436 = arith.constant 0 : i32
      scf.yield %scan3A_436 : i32
    }
    %scan3A_6 = arith.constant 4 : i32
    return
  }
}

module attributes {stable_mosaic.version = 14 : i64} {
  func.func @_line_kernel(%arg0: memref<32x16xf32, #tpu.memory_space<vmem>>, %arg1: memref<16x16x4096xf32, #tpu.memory_space<vmem>>) attributes {dimension_semantics = [], scalar_prefetch = 0 : i64, scratch_operands = 0 : i64, tpu.core_type = #tpu.core_type<tc>} {
    %iota3A = tpu.iota {dimensions = array<i32: 1>} : vector<16x4112xi32>
    %sub3A = arith.constant 2047 : i32
    %sub3A_0 = vector.broadcast %sub3A : i32 to vector<16x4112xi32>
    %sub3A_1 = arith.subi %iota3A, %sub3A_0 : vector<16x4112xi32>
    %gt3A = arith.constant 0 : i32
    %gt3A_2 = vector.broadcast %gt3A : i32 to vector<16x4112xi32>
    %gt3A_3 = arith.cmpi sgt, %sub3A_1, %gt3A_2 : vector<16x4112xi32>
    %convert_element_type3A = arith.extui %gt3A_3 : vector<16x4112xi1> to vector<16x4112xi32>
    %mul3A = arith.constant 16 : i32
    %mul3A_4 = vector.broadcast %mul3A : i32 to vector<16x4112xi32>
    %mul3A_5 = arith.muli %convert_element_type3A, %mul3A_4 : vector<16x4112xi32>
    %abs3A = math.absi %sub3A_1 : vector<16x4112xi32>
    %lt3A = arith.constant 8 : i32
    %lt3A_6 = vector.broadcast %lt3A : i32 to vector<16x4112xi32>
    %lt3A_7 = arith.cmpi slt, %abs3A, %lt3A_6 : vector<16x4112xi32>
    %max3A = arith.constant 1 : i32
    %max3A_8 = vector.broadcast %max3A : i32 to vector<16x4112xi32>
    %max3A_9 = arith.maxsi %abs3A, %max3A_8 : vector<16x4112xi32>
    %convert_element_type3A_10 = arith.sitofp %max3A_9 : vector<16x4112xi32> to vector<16x4112xf32>
    %div3A = arith.constant 8.000000e+00 : f32
    %div3A_11 = vector.broadcast %div3A : f32 to vector<16x4112xf32>
    %div3A_12 = arith.divf %convert_element_type3A_10, %div3A_11 : vector<16x4112xf32>
    %log3A = math.log %div3A_12 : vector<16x4112xf32>
    %div3A_13 = arith.constant 2.77258873 : f32
    %div3A_14 = vector.broadcast %div3A_13 : f32 to vector<16x4112xf32>
    %div3A_15 = arith.divf %log3A, %div3A_14 : vector<16x4112xf32>
    %mul3A_16 = arith.constant 8.000000e+00 : f32
    %mul3A_17 = vector.broadcast %mul3A_16 : f32 to vector<16x4112xf32>
    %mul3A_18 = arith.mulf %div3A_15, %mul3A_17 : vector<16x4112xf32>
    %convert_element_type3A_19 = arith.fptosi %mul3A_18 : vector<16x4112xf32> to vector<16x4112xi32>
    %add3A = arith.constant 8 : i32
    %add3A_20 = vector.broadcast %add3A : i32 to vector<16x4112xi32>
    %add3A_21 = arith.addi %add3A_20, %convert_element_type3A_19 : vector<16x4112xi32>
    %broadcast_in_dim3A = arith.constant 15 : i32
    %broadcast_in_dim3A_22 = vector.broadcast %broadcast_in_dim3A : i32 to vector<16x4112xi32>
    %min3A = arith.minsi %add3A_21, %broadcast_in_dim3A_22 : vector<16x4112xi32>
    %select_n3A = arith.select %lt3A_7, %abs3A, %min3A : vector<16x4112xi1>, vector<16x4112xi32>
    %add3A_23 = arith.addi %mul3A_5, %select_n3A : vector<16x4112xi32>
    %broadcast_in_dim3A_24 = arith.constant 0.000000e+00 : f32
    %broadcast_in_dim3A_25 = vector.broadcast %broadcast_in_dim3A_24 : f32 to vector<16x4112xf32>
    %get3A = arith.constant 0 : index
    %get3A_26 = arith.constant 0 : index
    %get3A_27 = vector.load %arg0[%get3A, %get3A_26] : memref<32x16xf32, #tpu.memory_space<vmem>>, vector<1x16xf32>
    %get3A_28 = vector.shape_cast %get3A_27 : vector<1x16xf32> to vector<16xf32>
    %broadcast_in_dim3A_29 = vector.shape_cast %get3A_28 : vector<16xf32> to vector<16x1xf32>
    %eq3A = arith.constant 0 : i32
    %eq3A_30 = vector.broadcast %eq3A : i32 to vector<16x4112xi32>
    %eq3A_31 = arith.cmpi eq, %add3A_23, %eq3A_30 : vector<16x4112xi32>
    %broadcast_in_dim3A_32 = vector.shape_cast %broadcast_in_dim3A_29 : vector<16x1xf32> to vector<16x1xf32>
    %broadcast_in_dim3A_33 = vector.broadcast %broadcast_in_dim3A_32 : vector<16x1xf32> to vector<16x4112xf32>
    %select_n3A_34 = arith.select %eq3A_31, %broadcast_in_dim3A_33, %broadcast_in_dim3A_25 : vector<16x4112xi1>, vector<16x4112xf32>
    %get3A_35 = arith.constant 1 : index
    %get3A_36 = arith.constant 0 : index
    %get3A_37 = vector.load %arg0[%get3A_35, %get3A_36] : memref<32x16xf32, #tpu.memory_space<vmem>>, vector<1x16xf32>
    %get3A_38 = vector.shape_cast %get3A_37 : vector<1x16xf32> to vector<16xf32>
    %broadcast_in_dim3A_39 = vector.shape_cast %get3A_38 : vector<16xf32> to vector<16x1xf32>
    %eq3A_40 = arith.constant 1 : i32
    %eq3A_41 = vector.broadcast %eq3A_40 : i32 to vector<16x4112xi32>
    %eq3A_42 = arith.cmpi eq, %add3A_23, %eq3A_41 : vector<16x4112xi32>
    %broadcast_in_dim3A_43 = vector.shape_cast %broadcast_in_dim3A_39 : vector<16x1xf32> to vector<16x1xf32>
    %broadcast_in_dim3A_44 = vector.broadcast %broadcast_in_dim3A_43 : vector<16x1xf32> to vector<16x4112xf32>
    %select_n3A_45 = arith.select %eq3A_42, %broadcast_in_dim3A_44, %select_n3A_34 : vector<16x4112xi1>, vector<16x4112xf32>
    %get3A_46 = arith.constant 2 : index
    %get3A_47 = arith.constant 0 : index
    %get3A_48 = vector.load %arg0[%get3A_46, %get3A_47] : memref<32x16xf32, #tpu.memory_space<vmem>>, vector<1x16xf32>
    %get3A_49 = vector.shape_cast %get3A_48 : vector<1x16xf32> to vector<16xf32>
    %broadcast_in_dim3A_50 = vector.shape_cast %get3A_49 : vector<16xf32> to vector<16x1xf32>
    %eq3A_51 = arith.constant 2 : i32
    %eq3A_52 = vector.broadcast %eq3A_51 : i32 to vector<16x4112xi32>
    %eq3A_53 = arith.cmpi eq, %add3A_23, %eq3A_52 : vector<16x4112xi32>
    %broadcast_in_dim3A_54 = vector.shape_cast %broadcast_in_dim3A_50 : vector<16x1xf32> to vector<16x1xf32>
    %broadcast_in_dim3A_55 = vector.broadcast %broadcast_in_dim3A_54 : vector<16x1xf32> to vector<16x4112xf32>
    %select_n3A_56 = arith.select %eq3A_53, %broadcast_in_dim3A_55, %select_n3A_45 : vector<16x4112xi1>, vector<16x4112xf32>
    %get3A_57 = arith.constant 3 : index
    %get3A_58 = arith.constant 0 : index
    %get3A_59 = vector.load %arg0[%get3A_57, %get3A_58] : memref<32x16xf32, #tpu.memory_space<vmem>>, vector<1x16xf32>
    %get3A_60 = vector.shape_cast %get3A_59 : vector<1x16xf32> to vector<16xf32>
    %broadcast_in_dim3A_61 = vector.shape_cast %get3A_60 : vector<16xf32> to vector<16x1xf32>
    %eq3A_62 = arith.constant 3 : i32
    %eq3A_63 = vector.broadcast %eq3A_62 : i32 to vector<16x4112xi32>
    %eq3A_64 = arith.cmpi eq, %add3A_23, %eq3A_63 : vector<16x4112xi32>
    %broadcast_in_dim3A_65 = vector.shape_cast %broadcast_in_dim3A_61 : vector<16x1xf32> to vector<16x1xf32>
    %broadcast_in_dim3A_66 = vector.broadcast %broadcast_in_dim3A_65 : vector<16x1xf32> to vector<16x4112xf32>
    %select_n3A_67 = arith.select %eq3A_64, %broadcast_in_dim3A_66, %select_n3A_56 : vector<16x4112xi1>, vector<16x4112xf32>
    %get3A_68 = arith.constant 4 : index
    %get3A_69 = arith.constant 0 : index
    %get3A_70 = vector.load %arg0[%get3A_68, %get3A_69] : memref<32x16xf32, #tpu.memory_space<vmem>>, vector<1x16xf32>
    %get3A_71 = vector.shape_cast %get3A_70 : vector<1x16xf32> to vector<16xf32>
    %broadcast_in_dim3A_72 = vector.shape_cast %get3A_71 : vector<16xf32> to vector<16x1xf32>
    %eq3A_73 = arith.constant 4 : i32
    %eq3A_74 = vector.broadcast %eq3A_73 : i32 to vector<16x4112xi32>
    %eq3A_75 = arith.cmpi eq, %add3A_23, %eq3A_74 : vector<16x4112xi32>
    %broadcast_in_dim3A_76 = vector.shape_cast %broadcast_in_dim3A_72 : vector<16x1xf32> to vector<16x1xf32>
    %broadcast_in_dim3A_77 = vector.broadcast %broadcast_in_dim3A_76 : vector<16x1xf32> to vector<16x4112xf32>
    %select_n3A_78 = arith.select %eq3A_75, %broadcast_in_dim3A_77, %select_n3A_67 : vector<16x4112xi1>, vector<16x4112xf32>
    %get3A_79 = arith.constant 5 : index
    %get3A_80 = arith.constant 0 : index
    %get3A_81 = vector.load %arg0[%get3A_79, %get3A_80] : memref<32x16xf32, #tpu.memory_space<vmem>>, vector<1x16xf32>
    %get3A_82 = vector.shape_cast %get3A_81 : vector<1x16xf32> to vector<16xf32>
    %broadcast_in_dim3A_83 = vector.shape_cast %get3A_82 : vector<16xf32> to vector<16x1xf32>
    %eq3A_84 = arith.constant 5 : i32
    %eq3A_85 = vector.broadcast %eq3A_84 : i32 to vector<16x4112xi32>
    %eq3A_86 = arith.cmpi eq, %add3A_23, %eq3A_85 : vector<16x4112xi32>
    %broadcast_in_dim3A_87 = vector.shape_cast %broadcast_in_dim3A_83 : vector<16x1xf32> to vector<16x1xf32>
    %broadcast_in_dim3A_88 = vector.broadcast %broadcast_in_dim3A_87 : vector<16x1xf32> to vector<16x4112xf32>
    %select_n3A_89 = arith.select %eq3A_86, %broadcast_in_dim3A_88, %select_n3A_78 : vector<16x4112xi1>, vector<16x4112xf32>
    %get3A_90 = arith.constant 6 : index
    %get3A_91 = arith.constant 0 : index
    %get3A_92 = vector.load %arg0[%get3A_90, %get3A_91] : memref<32x16xf32, #tpu.memory_space<vmem>>, vector<1x16xf32>
    %get3A_93 = vector.shape_cast %get3A_92 : vector<1x16xf32> to vector<16xf32>
    %broadcast_in_dim3A_94 = vector.shape_cast %get3A_93 : vector<16xf32> to vector<16x1xf32>
    %eq3A_95 = arith.constant 6 : i32
    %eq3A_96 = vector.broadcast %eq3A_95 : i32 to vector<16x4112xi32>
    %eq3A_97 = arith.cmpi eq, %add3A_23, %eq3A_96 : vector<16x4112xi32>
    %broadcast_in_dim3A_98 = vector.shape_cast %broadcast_in_dim3A_94 : vector<16x1xf32> to vector<16x1xf32>
    %broadcast_in_dim3A_99 = vector.broadcast %broadcast_in_dim3A_98 : vector<16x1xf32> to vector<16x4112xf32>
    %select_n3A_100 = arith.select %eq3A_97, %broadcast_in_dim3A_99, %select_n3A_89 : vector<16x4112xi1>, vector<16x4112xf32>
    %get3A_101 = arith.constant 7 : index
    %get3A_102 = arith.constant 0 : index
    %get3A_103 = vector.load %arg0[%get3A_101, %get3A_102] : memref<32x16xf32, #tpu.memory_space<vmem>>, vector<1x16xf32>
    %get3A_104 = vector.shape_cast %get3A_103 : vector<1x16xf32> to vector<16xf32>
    %broadcast_in_dim3A_105 = vector.shape_cast %get3A_104 : vector<16xf32> to vector<16x1xf32>
    %eq3A_106 = arith.constant 7 : i32
    %eq3A_107 = vector.broadcast %eq3A_106 : i32 to vector<16x4112xi32>
    %eq3A_108 = arith.cmpi eq, %add3A_23, %eq3A_107 : vector<16x4112xi32>
    %broadcast_in_dim3A_109 = vector.shape_cast %broadcast_in_dim3A_105 : vector<16x1xf32> to vector<16x1xf32>
    %broadcast_in_dim3A_110 = vector.broadcast %broadcast_in_dim3A_109 : vector<16x1xf32> to vector<16x4112xf32>
    %select_n3A_111 = arith.select %eq3A_108, %broadcast_in_dim3A_110, %select_n3A_100 : vector<16x4112xi1>, vector<16x4112xf32>
    %get3A_112 = arith.constant 8 : index
    %get3A_113 = arith.constant 0 : index
    %get3A_114 = vector.load %arg0[%get3A_112, %get3A_113] : memref<32x16xf32, #tpu.memory_space<vmem>>, vector<1x16xf32>
    %get3A_115 = vector.shape_cast %get3A_114 : vector<1x16xf32> to vector<16xf32>
    %broadcast_in_dim3A_116 = vector.shape_cast %get3A_115 : vector<16xf32> to vector<16x1xf32>
    %eq3A_117 = arith.constant 8 : i32
    %eq3A_118 = vector.broadcast %eq3A_117 : i32 to vector<16x4112xi32>
    %eq3A_119 = arith.cmpi eq, %add3A_23, %eq3A_118 : vector<16x4112xi32>
    %broadcast_in_dim3A_120 = vector.shape_cast %broadcast_in_dim3A_116 : vector<16x1xf32> to vector<16x1xf32>
    %broadcast_in_dim3A_121 = vector.broadcast %broadcast_in_dim3A_120 : vector<16x1xf32> to vector<16x4112xf32>
    %select_n3A_122 = arith.select %eq3A_119, %broadcast_in_dim3A_121, %select_n3A_111 : vector<16x4112xi1>, vector<16x4112xf32>
    %get3A_123 = arith.constant 9 : index
    %get3A_124 = arith.constant 0 : index
    %get3A_125 = vector.load %arg0[%get3A_123, %get3A_124] : memref<32x16xf32, #tpu.memory_space<vmem>>, vector<1x16xf32>
    %get3A_126 = vector.shape_cast %get3A_125 : vector<1x16xf32> to vector<16xf32>
    %broadcast_in_dim3A_127 = vector.shape_cast %get3A_126 : vector<16xf32> to vector<16x1xf32>
    %eq3A_128 = arith.constant 9 : i32
    %eq3A_129 = vector.broadcast %eq3A_128 : i32 to vector<16x4112xi32>
    %eq3A_130 = arith.cmpi eq, %add3A_23, %eq3A_129 : vector<16x4112xi32>
    %broadcast_in_dim3A_131 = vector.shape_cast %broadcast_in_dim3A_127 : vector<16x1xf32> to vector<16x1xf32>
    %broadcast_in_dim3A_132 = vector.broadcast %broadcast_in_dim3A_131 : vector<16x1xf32> to vector<16x4112xf32>
    %select_n3A_133 = arith.select %eq3A_130, %broadcast_in_dim3A_132, %select_n3A_122 : vector<16x4112xi1>, vector<16x4112xf32>
    %get3A_134 = arith.constant 10 : index
    %get3A_135 = arith.constant 0 : index
    %get3A_136 = vector.load %arg0[%get3A_134, %get3A_135] : memref<32x16xf32, #tpu.memory_space<vmem>>, vector<1x16xf32>
    %get3A_137 = vector.shape_cast %get3A_136 : vector<1x16xf32> to vector<16xf32>
    %broadcast_in_dim3A_138 = vector.shape_cast %get3A_137 : vector<16xf32> to vector<16x1xf32>
    %eq3A_139 = arith.constant 10 : i32
    %eq3A_140 = vector.broadcast %eq3A_139 : i32 to vector<16x4112xi32>
    %eq3A_141 = arith.cmpi eq, %add3A_23, %eq3A_140 : vector<16x4112xi32>
    %broadcast_in_dim3A_142 = vector.shape_cast %broadcast_in_dim3A_138 : vector<16x1xf32> to vector<16x1xf32>
    %broadcast_in_dim3A_143 = vector.broadcast %broadcast_in_dim3A_142 : vector<16x1xf32> to vector<16x4112xf32>
    %select_n3A_144 = arith.select %eq3A_141, %broadcast_in_dim3A_143, %select_n3A_133 : vector<16x4112xi1>, vector<16x4112xf32>
    %get3A_145 = arith.constant 11 : index
    %get3A_146 = arith.constant 0 : index
    %get3A_147 = vector.load %arg0[%get3A_145, %get3A_146] : memref<32x16xf32, #tpu.memory_space<vmem>>, vector<1x16xf32>
    %get3A_148 = vector.shape_cast %get3A_147 : vector<1x16xf32> to vector<16xf32>
    %broadcast_in_dim3A_149 = vector.shape_cast %get3A_148 : vector<16xf32> to vector<16x1xf32>
    %eq3A_150 = arith.constant 11 : i32
    %eq3A_151 = vector.broadcast %eq3A_150 : i32 to vector<16x4112xi32>
    %eq3A_152 = arith.cmpi eq, %add3A_23, %eq3A_151 : vector<16x4112xi32>
    %broadcast_in_dim3A_153 = vector.shape_cast %broadcast_in_dim3A_149 : vector<16x1xf32> to vector<16x1xf32>
    %broadcast_in_dim3A_154 = vector.broadcast %broadcast_in_dim3A_153 : vector<16x1xf32> to vector<16x4112xf32>
    %select_n3A_155 = arith.select %eq3A_152, %broadcast_in_dim3A_154, %select_n3A_144 : vector<16x4112xi1>, vector<16x4112xf32>
    %get3A_156 = arith.constant 12 : index
    %get3A_157 = arith.constant 0 : index
    %get3A_158 = vector.load %arg0[%get3A_156, %get3A_157] : memref<32x16xf32, #tpu.memory_space<vmem>>, vector<1x16xf32>
    %get3A_159 = vector.shape_cast %get3A_158 : vector<1x16xf32> to vector<16xf32>
    %broadcast_in_dim3A_160 = vector.shape_cast %get3A_159 : vector<16xf32> to vector<16x1xf32>
    %eq3A_161 = arith.constant 12 : i32
    %eq3A_162 = vector.broadcast %eq3A_161 : i32 to vector<16x4112xi32>
    %eq3A_163 = arith.cmpi eq, %add3A_23, %eq3A_162 : vector<16x4112xi32>
    %broadcast_in_dim3A_164 = vector.shape_cast %broadcast_in_dim3A_160 : vector<16x1xf32> to vector<16x1xf32>
    %broadcast_in_dim3A_165 = vector.broadcast %broadcast_in_dim3A_164 : vector<16x1xf32> to vector<16x4112xf32>
    %select_n3A_166 = arith.select %eq3A_163, %broadcast_in_dim3A_165, %select_n3A_155 : vector<16x4112xi1>, vector<16x4112xf32>
    %get3A_167 = arith.constant 13 : index
    %get3A_168 = arith.constant 0 : index
    %get3A_169 = vector.load %arg0[%get3A_167, %get3A_168] : memref<32x16xf32, #tpu.memory_space<vmem>>, vector<1x16xf32>
    %get3A_170 = vector.shape_cast %get3A_169 : vector<1x16xf32> to vector<16xf32>
    %broadcast_in_dim3A_171 = vector.shape_cast %get3A_170 : vector<16xf32> to vector<16x1xf32>
    %eq3A_172 = arith.constant 13 : i32
    %eq3A_173 = vector.broadcast %eq3A_172 : i32 to vector<16x4112xi32>
    %eq3A_174 = arith.cmpi eq, %add3A_23, %eq3A_173 : vector<16x4112xi32>
    %broadcast_in_dim3A_175 = vector.shape_cast %broadcast_in_dim3A_171 : vector<16x1xf32> to vector<16x1xf32>
    %broadcast_in_dim3A_176 = vector.broadcast %broadcast_in_dim3A_175 : vector<16x1xf32> to vector<16x4112xf32>
    %select_n3A_177 = arith.select %eq3A_174, %broadcast_in_dim3A_176, %select_n3A_166 : vector<16x4112xi1>, vector<16x4112xf32>
    %get3A_178 = arith.constant 14 : index
    %get3A_179 = arith.constant 0 : index
    %get3A_180 = vector.load %arg0[%get3A_178, %get3A_179] : memref<32x16xf32, #tpu.memory_space<vmem>>, vector<1x16xf32>
    %get3A_181 = vector.shape_cast %get3A_180 : vector<1x16xf32> to vector<16xf32>
    %broadcast_in_dim3A_182 = vector.shape_cast %get3A_181 : vector<16xf32> to vector<16x1xf32>
    %eq3A_183 = arith.constant 14 : i32
    %eq3A_184 = vector.broadcast %eq3A_183 : i32 to vector<16x4112xi32>
    %eq3A_185 = arith.cmpi eq, %add3A_23, %eq3A_184 : vector<16x4112xi32>
    %broadcast_in_dim3A_186 = vector.shape_cast %broadcast_in_dim3A_182 : vector<16x1xf32> to vector<16x1xf32>
    %broadcast_in_dim3A_187 = vector.broadcast %broadcast_in_dim3A_186 : vector<16x1xf32> to vector<16x4112xf32>
    %select_n3A_188 = arith.select %eq3A_185, %broadcast_in_dim3A_187, %select_n3A_177 : vector<16x4112xi1>, vector<16x4112xf32>
    %get3A_189 = arith.constant 15 : index
    %get3A_190 = arith.constant 0 : index
    %get3A_191 = vector.load %arg0[%get3A_189, %get3A_190] : memref<32x16xf32, #tpu.memory_space<vmem>>, vector<1x16xf32>
    %get3A_192 = vector.shape_cast %get3A_191 : vector<1x16xf32> to vector<16xf32>
    %broadcast_in_dim3A_193 = vector.shape_cast %get3A_192 : vector<16xf32> to vector<16x1xf32>
    %eq3A_194 = arith.constant 15 : i32
    %eq3A_195 = vector.broadcast %eq3A_194 : i32 to vector<16x4112xi32>
    %eq3A_196 = arith.cmpi eq, %add3A_23, %eq3A_195 : vector<16x4112xi32>
    %broadcast_in_dim3A_197 = vector.shape_cast %broadcast_in_dim3A_193 : vector<16x1xf32> to vector<16x1xf32>
    %broadcast_in_dim3A_198 = vector.broadcast %broadcast_in_dim3A_197 : vector<16x1xf32> to vector<16x4112xf32>
    %select_n3A_199 = arith.select %eq3A_196, %broadcast_in_dim3A_198, %select_n3A_188 : vector<16x4112xi1>, vector<16x4112xf32>
    %get3A_200 = arith.constant 16 : index
    %get3A_201 = arith.constant 0 : index
    %get3A_202 = vector.load %arg0[%get3A_200, %get3A_201] : memref<32x16xf32, #tpu.memory_space<vmem>>, vector<1x16xf32>
    %get3A_203 = vector.shape_cast %get3A_202 : vector<1x16xf32> to vector<16xf32>
    %broadcast_in_dim3A_204 = vector.shape_cast %get3A_203 : vector<16xf32> to vector<16x1xf32>
    %eq3A_205 = arith.constant 16 : i32
    %eq3A_206 = vector.broadcast %eq3A_205 : i32 to vector<16x4112xi32>
    %eq3A_207 = arith.cmpi eq, %add3A_23, %eq3A_206 : vector<16x4112xi32>
    %broadcast_in_dim3A_208 = vector.shape_cast %broadcast_in_dim3A_204 : vector<16x1xf32> to vector<16x1xf32>
    %broadcast_in_dim3A_209 = vector.broadcast %broadcast_in_dim3A_208 : vector<16x1xf32> to vector<16x4112xf32>
    %select_n3A_210 = arith.select %eq3A_207, %broadcast_in_dim3A_209, %select_n3A_199 : vector<16x4112xi1>, vector<16x4112xf32>
    %get3A_211 = arith.constant 17 : index
    %get3A_212 = arith.constant 0 : index
    %get3A_213 = vector.load %arg0[%get3A_211, %get3A_212] : memref<32x16xf32, #tpu.memory_space<vmem>>, vector<1x16xf32>
    %get3A_214 = vector.shape_cast %get3A_213 : vector<1x16xf32> to vector<16xf32>
    %broadcast_in_dim3A_215 = vector.shape_cast %get3A_214 : vector<16xf32> to vector<16x1xf32>
    %eq3A_216 = arith.constant 17 : i32
    %eq3A_217 = vector.broadcast %eq3A_216 : i32 to vector<16x4112xi32>
    %eq3A_218 = arith.cmpi eq, %add3A_23, %eq3A_217 : vector<16x4112xi32>
    %broadcast_in_dim3A_219 = vector.shape_cast %broadcast_in_dim3A_215 : vector<16x1xf32> to vector<16x1xf32>
    %broadcast_in_dim3A_220 = vector.broadcast %broadcast_in_dim3A_219 : vector<16x1xf32> to vector<16x4112xf32>
    %select_n3A_221 = arith.select %eq3A_218, %broadcast_in_dim3A_220, %select_n3A_210 : vector<16x4112xi1>, vector<16x4112xf32>
    %get3A_222 = arith.constant 18 : index
    %get3A_223 = arith.constant 0 : index
    %get3A_224 = vector.load %arg0[%get3A_222, %get3A_223] : memref<32x16xf32, #tpu.memory_space<vmem>>, vector<1x16xf32>
    %get3A_225 = vector.shape_cast %get3A_224 : vector<1x16xf32> to vector<16xf32>
    %broadcast_in_dim3A_226 = vector.shape_cast %get3A_225 : vector<16xf32> to vector<16x1xf32>
    %eq3A_227 = arith.constant 18 : i32
    %eq3A_228 = vector.broadcast %eq3A_227 : i32 to vector<16x4112xi32>
    %eq3A_229 = arith.cmpi eq, %add3A_23, %eq3A_228 : vector<16x4112xi32>
    %broadcast_in_dim3A_230 = vector.shape_cast %broadcast_in_dim3A_226 : vector<16x1xf32> to vector<16x1xf32>
    %broadcast_in_dim3A_231 = vector.broadcast %broadcast_in_dim3A_230 : vector<16x1xf32> to vector<16x4112xf32>
    %select_n3A_232 = arith.select %eq3A_229, %broadcast_in_dim3A_231, %select_n3A_221 : vector<16x4112xi1>, vector<16x4112xf32>
    %get3A_233 = arith.constant 19 : index
    %get3A_234 = arith.constant 0 : index
    %get3A_235 = vector.load %arg0[%get3A_233, %get3A_234] : memref<32x16xf32, #tpu.memory_space<vmem>>, vector<1x16xf32>
    %get3A_236 = vector.shape_cast %get3A_235 : vector<1x16xf32> to vector<16xf32>
    %broadcast_in_dim3A_237 = vector.shape_cast %get3A_236 : vector<16xf32> to vector<16x1xf32>
    %eq3A_238 = arith.constant 19 : i32
    %eq3A_239 = vector.broadcast %eq3A_238 : i32 to vector<16x4112xi32>
    %eq3A_240 = arith.cmpi eq, %add3A_23, %eq3A_239 : vector<16x4112xi32>
    %broadcast_in_dim3A_241 = vector.shape_cast %broadcast_in_dim3A_237 : vector<16x1xf32> to vector<16x1xf32>
    %broadcast_in_dim3A_242 = vector.broadcast %broadcast_in_dim3A_241 : vector<16x1xf32> to vector<16x4112xf32>
    %select_n3A_243 = arith.select %eq3A_240, %broadcast_in_dim3A_242, %select_n3A_232 : vector<16x4112xi1>, vector<16x4112xf32>
    %get3A_244 = arith.constant 20 : index
    %get3A_245 = arith.constant 0 : index
    %get3A_246 = vector.load %arg0[%get3A_244, %get3A_245] : memref<32x16xf32, #tpu.memory_space<vmem>>, vector<1x16xf32>
    %get3A_247 = vector.shape_cast %get3A_246 : vector<1x16xf32> to vector<16xf32>
    %broadcast_in_dim3A_248 = vector.shape_cast %get3A_247 : vector<16xf32> to vector<16x1xf32>
    %eq3A_249 = arith.constant 20 : i32
    %eq3A_250 = vector.broadcast %eq3A_249 : i32 to vector<16x4112xi32>
    %eq3A_251 = arith.cmpi eq, %add3A_23, %eq3A_250 : vector<16x4112xi32>
    %broadcast_in_dim3A_252 = vector.shape_cast %broadcast_in_dim3A_248 : vector<16x1xf32> to vector<16x1xf32>
    %broadcast_in_dim3A_253 = vector.broadcast %broadcast_in_dim3A_252 : vector<16x1xf32> to vector<16x4112xf32>
    %select_n3A_254 = arith.select %eq3A_251, %broadcast_in_dim3A_253, %select_n3A_243 : vector<16x4112xi1>, vector<16x4112xf32>
    %get3A_255 = arith.constant 21 : index
    %get3A_256 = arith.constant 0 : index
    %get3A_257 = vector.load %arg0[%get3A_255, %get3A_256] : memref<32x16xf32, #tpu.memory_space<vmem>>, vector<1x16xf32>
    %get3A_258 = vector.shape_cast %get3A_257 : vector<1x16xf32> to vector<16xf32>
    %broadcast_in_dim3A_259 = vector.shape_cast %get3A_258 : vector<16xf32> to vector<16x1xf32>
    %eq3A_260 = arith.constant 21 : i32
    %eq3A_261 = vector.broadcast %eq3A_260 : i32 to vector<16x4112xi32>
    %eq3A_262 = arith.cmpi eq, %add3A_23, %eq3A_261 : vector<16x4112xi32>
    %broadcast_in_dim3A_263 = vector.shape_cast %broadcast_in_dim3A_259 : vector<16x1xf32> to vector<16x1xf32>
    %broadcast_in_dim3A_264 = vector.broadcast %broadcast_in_dim3A_263 : vector<16x1xf32> to vector<16x4112xf32>
    %select_n3A_265 = arith.select %eq3A_262, %broadcast_in_dim3A_264, %select_n3A_254 : vector<16x4112xi1>, vector<16x4112xf32>
    %get3A_266 = arith.constant 22 : index
    %get3A_267 = arith.constant 0 : index
    %get3A_268 = vector.load %arg0[%get3A_266, %get3A_267] : memref<32x16xf32, #tpu.memory_space<vmem>>, vector<1x16xf32>
    %get3A_269 = vector.shape_cast %get3A_268 : vector<1x16xf32> to vector<16xf32>
    %broadcast_in_dim3A_270 = vector.shape_cast %get3A_269 : vector<16xf32> to vector<16x1xf32>
    %eq3A_271 = arith.constant 22 : i32
    %eq3A_272 = vector.broadcast %eq3A_271 : i32 to vector<16x4112xi32>
    %eq3A_273 = arith.cmpi eq, %add3A_23, %eq3A_272 : vector<16x4112xi32>
    %broadcast_in_dim3A_274 = vector.shape_cast %broadcast_in_dim3A_270 : vector<16x1xf32> to vector<16x1xf32>
    %broadcast_in_dim3A_275 = vector.broadcast %broadcast_in_dim3A_274 : vector<16x1xf32> to vector<16x4112xf32>
    %select_n3A_276 = arith.select %eq3A_273, %broadcast_in_dim3A_275, %select_n3A_265 : vector<16x4112xi1>, vector<16x4112xf32>
    %get3A_277 = arith.constant 23 : index
    %get3A_278 = arith.constant 0 : index
    %get3A_279 = vector.load %arg0[%get3A_277, %get3A_278] : memref<32x16xf32, #tpu.memory_space<vmem>>, vector<1x16xf32>
    %get3A_280 = vector.shape_cast %get3A_279 : vector<1x16xf32> to vector<16xf32>
    %broadcast_in_dim3A_281 = vector.shape_cast %get3A_280 : vector<16xf32> to vector<16x1xf32>
    %eq3A_282 = arith.constant 23 : i32
    %eq3A_283 = vector.broadcast %eq3A_282 : i32 to vector<16x4112xi32>
    %eq3A_284 = arith.cmpi eq, %add3A_23, %eq3A_283 : vector<16x4112xi32>
    %broadcast_in_dim3A_285 = vector.shape_cast %broadcast_in_dim3A_281 : vector<16x1xf32> to vector<16x1xf32>
    %broadcast_in_dim3A_286 = vector.broadcast %broadcast_in_dim3A_285 : vector<16x1xf32> to vector<16x4112xf32>
    %select_n3A_287 = arith.select %eq3A_284, %broadcast_in_dim3A_286, %select_n3A_276 : vector<16x4112xi1>, vector<16x4112xf32>
    %get3A_288 = arith.constant 24 : index
    %get3A_289 = arith.constant 0 : index
    %get3A_290 = vector.load %arg0[%get3A_288, %get3A_289] : memref<32x16xf32, #tpu.memory_space<vmem>>, vector<1x16xf32>
    %get3A_291 = vector.shape_cast %get3A_290 : vector<1x16xf32> to vector<16xf32>
    %broadcast_in_dim3A_292 = vector.shape_cast %get3A_291 : vector<16xf32> to vector<16x1xf32>
    %eq3A_293 = arith.constant 24 : i32
    %eq3A_294 = vector.broadcast %eq3A_293 : i32 to vector<16x4112xi32>
    %eq3A_295 = arith.cmpi eq, %add3A_23, %eq3A_294 : vector<16x4112xi32>
    %broadcast_in_dim3A_296 = vector.shape_cast %broadcast_in_dim3A_292 : vector<16x1xf32> to vector<16x1xf32>
    %broadcast_in_dim3A_297 = vector.broadcast %broadcast_in_dim3A_296 : vector<16x1xf32> to vector<16x4112xf32>
    %select_n3A_298 = arith.select %eq3A_295, %broadcast_in_dim3A_297, %select_n3A_287 : vector<16x4112xi1>, vector<16x4112xf32>
    %get3A_299 = arith.constant 25 : index
    %get3A_300 = arith.constant 0 : index
    %get3A_301 = vector.load %arg0[%get3A_299, %get3A_300] : memref<32x16xf32, #tpu.memory_space<vmem>>, vector<1x16xf32>
    %get3A_302 = vector.shape_cast %get3A_301 : vector<1x16xf32> to vector<16xf32>
    %broadcast_in_dim3A_303 = vector.shape_cast %get3A_302 : vector<16xf32> to vector<16x1xf32>
    %eq3A_304 = arith.constant 25 : i32
    %eq3A_305 = vector.broadcast %eq3A_304 : i32 to vector<16x4112xi32>
    %eq3A_306 = arith.cmpi eq, %add3A_23, %eq3A_305 : vector<16x4112xi32>
    %broadcast_in_dim3A_307 = vector.shape_cast %broadcast_in_dim3A_303 : vector<16x1xf32> to vector<16x1xf32>
    %broadcast_in_dim3A_308 = vector.broadcast %broadcast_in_dim3A_307 : vector<16x1xf32> to vector<16x4112xf32>
    %select_n3A_309 = arith.select %eq3A_306, %broadcast_in_dim3A_308, %select_n3A_298 : vector<16x4112xi1>, vector<16x4112xf32>
    %get3A_310 = arith.constant 26 : index
    %get3A_311 = arith.constant 0 : index
    %get3A_312 = vector.load %arg0[%get3A_310, %get3A_311] : memref<32x16xf32, #tpu.memory_space<vmem>>, vector<1x16xf32>
    %get3A_313 = vector.shape_cast %get3A_312 : vector<1x16xf32> to vector<16xf32>
    %broadcast_in_dim3A_314 = vector.shape_cast %get3A_313 : vector<16xf32> to vector<16x1xf32>
    %eq3A_315 = arith.constant 26 : i32
    %eq3A_316 = vector.broadcast %eq3A_315 : i32 to vector<16x4112xi32>
    %eq3A_317 = arith.cmpi eq, %add3A_23, %eq3A_316 : vector<16x4112xi32>
    %broadcast_in_dim3A_318 = vector.shape_cast %broadcast_in_dim3A_314 : vector<16x1xf32> to vector<16x1xf32>
    %broadcast_in_dim3A_319 = vector.broadcast %broadcast_in_dim3A_318 : vector<16x1xf32> to vector<16x4112xf32>
    %select_n3A_320 = arith.select %eq3A_317, %broadcast_in_dim3A_319, %select_n3A_309 : vector<16x4112xi1>, vector<16x4112xf32>
    %get3A_321 = arith.constant 27 : index
    %get3A_322 = arith.constant 0 : index
    %get3A_323 = vector.load %arg0[%get3A_321, %get3A_322] : memref<32x16xf32, #tpu.memory_space<vmem>>, vector<1x16xf32>
    %get3A_324 = vector.shape_cast %get3A_323 : vector<1x16xf32> to vector<16xf32>
    %broadcast_in_dim3A_325 = vector.shape_cast %get3A_324 : vector<16xf32> to vector<16x1xf32>
    %eq3A_326 = arith.constant 27 : i32
    %eq3A_327 = vector.broadcast %eq3A_326 : i32 to vector<16x4112xi32>
    %eq3A_328 = arith.cmpi eq, %add3A_23, %eq3A_327 : vector<16x4112xi32>
    %broadcast_in_dim3A_329 = vector.shape_cast %broadcast_in_dim3A_325 : vector<16x1xf32> to vector<16x1xf32>
    %broadcast_in_dim3A_330 = vector.broadcast %broadcast_in_dim3A_329 : vector<16x1xf32> to vector<16x4112xf32>
    %select_n3A_331 = arith.select %eq3A_328, %broadcast_in_dim3A_330, %select_n3A_320 : vector<16x4112xi1>, vector<16x4112xf32>
    %get3A_332 = arith.constant 28 : index
    %get3A_333 = arith.constant 0 : index
    %get3A_334 = vector.load %arg0[%get3A_332, %get3A_333] : memref<32x16xf32, #tpu.memory_space<vmem>>, vector<1x16xf32>
    %get3A_335 = vector.shape_cast %get3A_334 : vector<1x16xf32> to vector<16xf32>
    %broadcast_in_dim3A_336 = vector.shape_cast %get3A_335 : vector<16xf32> to vector<16x1xf32>
    %eq3A_337 = arith.constant 28 : i32
    %eq3A_338 = vector.broadcast %eq3A_337 : i32 to vector<16x4112xi32>
    %eq3A_339 = arith.cmpi eq, %add3A_23, %eq3A_338 : vector<16x4112xi32>
    %broadcast_in_dim3A_340 = vector.shape_cast %broadcast_in_dim3A_336 : vector<16x1xf32> to vector<16x1xf32>
    %broadcast_in_dim3A_341 = vector.broadcast %broadcast_in_dim3A_340 : vector<16x1xf32> to vector<16x4112xf32>
    %select_n3A_342 = arith.select %eq3A_339, %broadcast_in_dim3A_341, %select_n3A_331 : vector<16x4112xi1>, vector<16x4112xf32>
    %get3A_343 = arith.constant 29 : index
    %get3A_344 = arith.constant 0 : index
    %get3A_345 = vector.load %arg0[%get3A_343, %get3A_344] : memref<32x16xf32, #tpu.memory_space<vmem>>, vector<1x16xf32>
    %get3A_346 = vector.shape_cast %get3A_345 : vector<1x16xf32> to vector<16xf32>
    %broadcast_in_dim3A_347 = vector.shape_cast %get3A_346 : vector<16xf32> to vector<16x1xf32>
    %eq3A_348 = arith.constant 29 : i32
    %eq3A_349 = vector.broadcast %eq3A_348 : i32 to vector<16x4112xi32>
    %eq3A_350 = arith.cmpi eq, %add3A_23, %eq3A_349 : vector<16x4112xi32>
    %broadcast_in_dim3A_351 = vector.shape_cast %broadcast_in_dim3A_347 : vector<16x1xf32> to vector<16x1xf32>
    %broadcast_in_dim3A_352 = vector.broadcast %broadcast_in_dim3A_351 : vector<16x1xf32> to vector<16x4112xf32>
    %select_n3A_353 = arith.select %eq3A_350, %broadcast_in_dim3A_352, %select_n3A_342 : vector<16x4112xi1>, vector<16x4112xf32>
    %get3A_354 = arith.constant 30 : index
    %get3A_355 = arith.constant 0 : index
    %get3A_356 = vector.load %arg0[%get3A_354, %get3A_355] : memref<32x16xf32, #tpu.memory_space<vmem>>, vector<1x16xf32>
    %get3A_357 = vector.shape_cast %get3A_356 : vector<1x16xf32> to vector<16xf32>
    %broadcast_in_dim3A_358 = vector.shape_cast %get3A_357 : vector<16xf32> to vector<16x1xf32>
    %eq3A_359 = arith.constant 30 : i32
    %eq3A_360 = vector.broadcast %eq3A_359 : i32 to vector<16x4112xi32>
    %eq3A_361 = arith.cmpi eq, %add3A_23, %eq3A_360 : vector<16x4112xi32>
    %broadcast_in_dim3A_362 = vector.shape_cast %broadcast_in_dim3A_358 : vector<16x1xf32> to vector<16x1xf32>
    %broadcast_in_dim3A_363 = vector.broadcast %broadcast_in_dim3A_362 : vector<16x1xf32> to vector<16x4112xf32>
    %select_n3A_364 = arith.select %eq3A_361, %broadcast_in_dim3A_363, %select_n3A_353 : vector<16x4112xi1>, vector<16x4112xf32>
    %get3A_365 = arith.constant 31 : index
    %get3A_366 = arith.constant 0 : index
    %get3A_367 = vector.load %arg0[%get3A_365, %get3A_366] : memref<32x16xf32, #tpu.memory_space<vmem>>, vector<1x16xf32>
    %get3A_368 = vector.shape_cast %get3A_367 : vector<1x16xf32> to vector<16xf32>
    %broadcast_in_dim3A_369 = vector.shape_cast %get3A_368 : vector<16xf32> to vector<16x1xf32>
    %eq3A_370 = arith.constant 31 : i32
    %eq3A_371 = vector.broadcast %eq3A_370 : i32 to vector<16x4112xi32>
    %eq3A_372 = arith.cmpi eq, %add3A_23, %eq3A_371 : vector<16x4112xi32>
    %broadcast_in_dim3A_373 = vector.shape_cast %broadcast_in_dim3A_369 : vector<16x1xf32> to vector<16x1xf32>
    %broadcast_in_dim3A_374 = vector.broadcast %broadcast_in_dim3A_373 : vector<16x1xf32> to vector<16x4112xf32>
    %select_n3A_375 = arith.select %eq3A_372, %broadcast_in_dim3A_374, %select_n3A_364 : vector<16x4112xi1>, vector<16x4112xf32>
    %slice3A = vector.extract_strided_slice %select_n3A_375 {offsets = [0, 0], sizes = [16, 4096], strides = [1, 1]} : vector<16x4112xf32> to vector<16x4096xf32>
    %swap3A = arith.constant 0 : index
    %swap3A_376 = arith.constant 0 : index
    %swap3A_377 = arith.constant 0 : index
    %swap3A_378 = vector.load %arg1[%swap3A, %swap3A_376, %swap3A_377] : memref<16x16x4096xf32, #tpu.memory_space<vmem>>, vector<1x16x4096xf32>
    %swap3A_379 = vector.shape_cast %swap3A_378 : vector<1x16x4096xf32> to vector<16x4096xf32>
    %swap3A_380 = vector.shape_cast %slice3A : vector<16x4096xf32> to vector<1x16x4096xf32>
    tpu.vector_store %arg1[%swap3A, %swap3A_376, %swap3A_377], %swap3A_380 {strides = array<i32>} : memref<16x16x4096xf32, #tpu.memory_space<vmem>>, vector<1x16x4096xf32>,
    %slice3A_381 = vector.extract_strided_slice %select_n3A_375 {offsets = [0, 1], sizes = [16, 4096], strides = [1, 1]} : vector<16x4112xf32> to vector<16x4096xf32>
    %swap3A_382 = arith.constant 1 : index
    %swap3A_383 = arith.constant 0 : index
    %swap3A_384 = arith.constant 0 : index
    %swap3A_385 = vector.load %arg1[%swap3A_382, %swap3A_383, %swap3A_384] : memref<16x16x4096xf32, #tpu.memory_space<vmem>>, vector<1x16x4096xf32>
    %swap3A_386 = vector.shape_cast %swap3A_385 : vector<1x16x4096xf32> to vector<16x4096xf32>
    %swap3A_387 = vector.shape_cast %slice3A_381 : vector<16x4096xf32> to vector<1x16x4096xf32>
    tpu.vector_store %arg1[%swap3A_382, %swap3A_383, %swap3A_384], %swap3A_387 {strides = array<i32>} : memref<16x16x4096xf32, #tpu.memory_space<vmem>>, vector<1x16x4096xf32>,
    %slice3A_388 = vector.extract_strided_slice %select_n3A_375 {offsets = [0, 2], sizes = [16, 4096], strides = [1, 1]} : vector<16x4112xf32> to vector<16x4096xf32>
    %swap3A_389 = arith.constant 2 : index
    %swap3A_390 = arith.constant 0 : index
    %swap3A_391 = arith.constant 0 : index
    %swap3A_392 = vector.load %arg1[%swap3A_389, %swap3A_390, %swap3A_391] : memref<16x16x4096xf32, #tpu.memory_space<vmem>>, vector<1x16x4096xf32>
    %swap3A_393 = vector.shape_cast %swap3A_392 : vector<1x16x4096xf32> to vector<16x4096xf32>
    %swap3A_394 = vector.shape_cast %slice3A_388 : vector<16x4096xf32> to vector<1x16x4096xf32>
    tpu.vector_store %arg1[%swap3A_389, %swap3A_390, %swap3A_391], %swap3A_394 {strides = array<i32>} : memref<16x16x4096xf32, #tpu.memory_space<vmem>>, vector<1x16x4096xf32>,
    %slice3A_395 = vector.extract_strided_slice %select_n3A_375 {offsets = [0, 3], sizes = [16, 4096], strides = [1, 1]} : vector<16x4112xf32> to vector<16x4096xf32>
    %swap3A_396 = arith.constant 3 : index
    %swap3A_397 = arith.constant 0 : index
    %swap3A_398 = arith.constant 0 : index
    %swap3A_399 = vector.load %arg1[%swap3A_396, %swap3A_397, %swap3A_398] : memref<16x16x4096xf32, #tpu.memory_space<vmem>>, vector<1x16x4096xf32>
    %swap3A_400 = vector.shape_cast %swap3A_399 : vector<1x16x4096xf32> to vector<16x4096xf32>
    %swap3A_401 = vector.shape_cast %slice3A_395 : vector<16x4096xf32> to vector<1x16x4096xf32>
    tpu.vector_store %arg1[%swap3A_396, %swap3A_397, %swap3A_398], %swap3A_401 {strides = array<i32>} : memref<16x16x4096xf32, #tpu.memory_space<vmem>>, vector<1x16x4096xf32>,
    %slice3A_402 = vector.extract_strided_slice %select_n3A_375 {offsets = [0, 4], sizes = [16, 4096], strides = [1, 1]} : vector<16x4112xf32> to vector<16x4096xf32>
    %swap3A_403 = arith.constant 4 : index
    %swap3A_404 = arith.constant 0 : index
    %swap3A_405 = arith.constant 0 : index
    %swap3A_406 = vector.load %arg1[%swap3A_403, %swap3A_404, %swap3A_405] : memref<16x16x4096xf32, #tpu.memory_space<vmem>>, vector<1x16x4096xf32>
    %swap3A_407 = vector.shape_cast %swap3A_406 : vector<1x16x4096xf32> to vector<16x4096xf32>
    %swap3A_408 = vector.shape_cast %slice3A_402 : vector<16x4096xf32> to vector<1x16x4096xf32>
    tpu.vector_store %arg1[%swap3A_403, %swap3A_404, %swap3A_405], %swap3A_408 {strides = array<i32>} : memref<16x16x4096xf32, #tpu.memory_space<vmem>>, vector<1x16x4096xf32>,
    %slice3A_409 = vector.extract_strided_slice %select_n3A_375 {offsets = [0, 5], sizes = [16, 4096], strides = [1, 1]} : vector<16x4112xf32> to vector<16x4096xf32>
    %swap3A_410 = arith.constant 5 : index
    %swap3A_411 = arith.constant 0 : index
    %swap3A_412 = arith.constant 0 : index
    %swap3A_413 = vector.load %arg1[%swap3A_410, %swap3A_411, %swap3A_412] : memref<16x16x4096xf32, #tpu.memory_space<vmem>>, vector<1x16x4096xf32>
    %swap3A_414 = vector.shape_cast %swap3A_413 : vector<1x16x4096xf32> to vector<16x4096xf32>
    %swap3A_415 = vector.shape_cast %slice3A_409 : vector<16x4096xf32> to vector<1x16x4096xf32>
    tpu.vector_store %arg1[%swap3A_410, %swap3A_411, %swap3A_412], %swap3A_415 {strides = array<i32>} : memref<16x16x4096xf32, #tpu.memory_space<vmem>>, vector<1x16x4096xf32>,
    %slice3A_416 = vector.extract_strided_slice %select_n3A_375 {offsets = [0, 6], sizes = [16, 4096], strides = [1, 1]} : vector<16x4112xf32> to vector<16x4096xf32>
    %swap3A_417 = arith.constant 6 : index
    %swap3A_418 = arith.constant 0 : index
    %swap3A_419 = arith.constant 0 : index
    %swap3A_420 = vector.load %arg1[%swap3A_417, %swap3A_418, %swap3A_419] : memref<16x16x4096xf32, #tpu.memory_space<vmem>>, vector<1x16x4096xf32>
    %swap3A_421 = vector.shape_cast %swap3A_420 : vector<1x16x4096xf32> to vector<16x4096xf32>
    %swap3A_422 = vector.shape_cast %slice3A_416 : vector<16x4096xf32> to vector<1x16x4096xf32>
    tpu.vector_store %arg1[%swap3A_417, %swap3A_418, %swap3A_419], %swap3A_422 {strides = array<i32>} : memref<16x16x4096xf32, #tpu.memory_space<vmem>>, vector<1x16x4096xf32>,
    %slice3A_423 = vector.extract_strided_slice %select_n3A_375 {offsets = [0, 7], sizes = [16, 4096], strides = [1, 1]} : vector<16x4112xf32> to vector<16x4096xf32>
    %swap3A_424 = arith.constant 7 : index
    %swap3A_425 = arith.constant 0 : index
    %swap3A_426 = arith.constant 0 : index
    %swap3A_427 = vector.load %arg1[%swap3A_424, %swap3A_425, %swap3A_426] : memref<16x16x4096xf32, #tpu.memory_space<vmem>>, vector<1x16x4096xf32>
    %swap3A_428 = vector.shape_cast %swap3A_427 : vector<1x16x4096xf32> to vector<16x4096xf32>
    %swap3A_429 = vector.shape_cast %slice3A_423 : vector<16x4096xf32> to vector<1x16x4096xf32>
    tpu.vector_store %arg1[%swap3A_424, %swap3A_425, %swap3A_426], %swap3A_429 {strides = array<i32>} : memref<16x16x4096xf32, #tpu.memory_space<vmem>>, vector<1x16x4096xf32>,
    %slice3A_430 = vector.extract_strided_slice %select_n3A_375 {offsets = [0, 8], sizes = [16, 4096], strides = [1, 1]} : vector<16x4112xf32> to vector<16x4096xf32>
    %swap3A_431 = arith.constant 8 : index
    %swap3A_432 = arith.constant 0 : index
    %swap3A_433 = arith.constant 0 : index
    %swap3A_434 = vector.load %arg1[%swap3A_431, %swap3A_432, %swap3A_433] : memref<16x16x4096xf32, #tpu.memory_space<vmem>>, vector<1x16x4096xf32>
    %swap3A_435 = vector.shape_cast %swap3A_434 : vector<1x16x4096xf32> to vector<16x4096xf32>
    %swap3A_436 = vector.shape_cast %slice3A_430 : vector<16x4096xf32> to vector<1x16x4096xf32>
    tpu.vector_store %arg1[%swap3A_431, %swap3A_432, %swap3A_433], %swap3A_436 {strides = array<i32>} : memref<16x16x4096xf32, #tpu.memory_space<vmem>>, vector<1x16x4096xf32>,
    %slice3A_437 = vector.extract_strided_slice %select_n3A_375 {offsets = [0, 9], sizes = [16, 4096], strides = [1, 1]} : vector<16x4112xf32> to vector<16x4096xf32>
    %swap3A_438 = arith.constant 9 : index
    %swap3A_439 = arith.constant 0 : index
    %swap3A_440 = arith.constant 0 : index
    %swap3A_441 = vector.load %arg1[%swap3A_438, %swap3A_439, %swap3A_440] : memref<16x16x4096xf32, #tpu.memory_space<vmem>>, vector<1x16x4096xf32>
    %swap3A_442 = vector.shape_cast %swap3A_441 : vector<1x16x4096xf32> to vector<16x4096xf32>
    %swap3A_443 = vector.shape_cast %slice3A_437 : vector<16x4096xf32> to vector<1x16x4096xf32>
    tpu.vector_store %arg1[%swap3A_438, %swap3A_439, %swap3A_440], %swap3A_443 {strides = array<i32>} : memref<16x16x4096xf32, #tpu.memory_space<vmem>>, vector<1x16x4096xf32>,
    %slice3A_444 = vector.extract_strided_slice %select_n3A_375 {offsets = [0, 10], sizes = [16, 4096], strides = [1, 1]} : vector<16x4112xf32> to vector<16x4096xf32>
    %swap3A_445 = arith.constant 10 : index
    %swap3A_446 = arith.constant 0 : index
    %swap3A_447 = arith.constant 0 : index
    %swap3A_448 = vector.load %arg1[%swap3A_445, %swap3A_446, %swap3A_447] : memref<16x16x4096xf32, #tpu.memory_space<vmem>>, vector<1x16x4096xf32>
    %swap3A_449 = vector.shape_cast %swap3A_448 : vector<1x16x4096xf32> to vector<16x4096xf32>
    %swap3A_450 = vector.shape_cast %slice3A_444 : vector<16x4096xf32> to vector<1x16x4096xf32>
    tpu.vector_store %arg1[%swap3A_445, %swap3A_446, %swap3A_447], %swap3A_450 {strides = array<i32>} : memref<16x16x4096xf32, #tpu.memory_space<vmem>>, vector<1x16x4096xf32>,
    %slice3A_451 = vector.extract_strided_slice %select_n3A_375 {offsets = [0, 11], sizes = [16, 4096], strides = [1, 1]} : vector<16x4112xf32> to vector<16x4096xf32>
    %swap3A_452 = arith.constant 11 : index
    %swap3A_453 = arith.constant 0 : index
    %swap3A_454 = arith.constant 0 : index
    %swap3A_455 = vector.load %arg1[%swap3A_452, %swap3A_453, %swap3A_454] : memref<16x16x4096xf32, #tpu.memory_space<vmem>>, vector<1x16x4096xf32>
    %swap3A_456 = vector.shape_cast %swap3A_455 : vector<1x16x4096xf32> to vector<16x4096xf32>
    %swap3A_457 = vector.shape_cast %slice3A_451 : vector<16x4096xf32> to vector<1x16x4096xf32>
    tpu.vector_store %arg1[%swap3A_452, %swap3A_453, %swap3A_454], %swap3A_457 {strides = array<i32>} : memref<16x16x4096xf32, #tpu.memory_space<vmem>>, vector<1x16x4096xf32>,
    %slice3A_458 = vector.extract_strided_slice %select_n3A_375 {offsets = [0, 12], sizes = [16, 4096], strides = [1, 1]} : vector<16x4112xf32> to vector<16x4096xf32>
    %swap3A_459 = arith.constant 12 : index
    %swap3A_460 = arith.constant 0 : index
    %swap3A_461 = arith.constant 0 : index
    %swap3A_462 = vector.load %arg1[%swap3A_459, %swap3A_460, %swap3A_461] : memref<16x16x4096xf32, #tpu.memory_space<vmem>>, vector<1x16x4096xf32>
    %swap3A_463 = vector.shape_cast %swap3A_462 : vector<1x16x4096xf32> to vector<16x4096xf32>
    %swap3A_464 = vector.shape_cast %slice3A_458 : vector<16x4096xf32> to vector<1x16x4096xf32>
    tpu.vector_store %arg1[%swap3A_459, %swap3A_460, %swap3A_461], %swap3A_464 {strides = array<i32>} : memref<16x16x4096xf32, #tpu.memory_space<vmem>>, vector<1x16x4096xf32>,
    %slice3A_465 = vector.extract_strided_slice %select_n3A_375 {offsets = [0, 13], sizes = [16, 4096], strides = [1, 1]} : vector<16x4112xf32> to vector<16x4096xf32>
    %swap3A_466 = arith.constant 13 : index
    %swap3A_467 = arith.constant 0 : index
    %swap3A_468 = arith.constant 0 : index
    %swap3A_469 = vector.load %arg1[%swap3A_466, %swap3A_467, %swap3A_468] : memref<16x16x4096xf32, #tpu.memory_space<vmem>>, vector<1x16x4096xf32>
    %swap3A_470 = vector.shape_cast %swap3A_469 : vector<1x16x4096xf32> to vector<16x4096xf32>
    %swap3A_471 = vector.shape_cast %slice3A_465 : vector<16x4096xf32> to vector<1x16x4096xf32>
    tpu.vector_store %arg1[%swap3A_466, %swap3A_467, %swap3A_468], %swap3A_471 {strides = array<i32>} : memref<16x16x4096xf32, #tpu.memory_space<vmem>>, vector<1x16x4096xf32>,
    %slice3A_472 = vector.extract_strided_slice %select_n3A_375 {offsets = [0, 14], sizes = [16, 4096], strides = [1, 1]} : vector<16x4112xf32> to vector<16x4096xf32>
    %swap3A_473 = arith.constant 14 : index
    %swap3A_474 = arith.constant 0 : index
    %swap3A_475 = arith.constant 0 : index
    %swap3A_476 = vector.load %arg1[%swap3A_473, %swap3A_474, %swap3A_475] : memref<16x16x4096xf32, #tpu.memory_space<vmem>>, vector<1x16x4096xf32>
    %swap3A_477 = vector.shape_cast %swap3A_476 : vector<1x16x4096xf32> to vector<16x4096xf32>
    %swap3A_478 = vector.shape_cast %slice3A_472 : vector<16x4096xf32> to vector<1x16x4096xf32>
    tpu.vector_store %arg1[%swap3A_473, %swap3A_474, %swap3A_475], %swap3A_478 {strides = array<i32>} : memref<16x16x4096xf32, #tpu.memory_space<vmem>>, vector<1x16x4096xf32>,
    %slice3A_479 = vector.extract_strided_slice %select_n3A_375 {offsets = [0, 15], sizes = [16, 4096], strides = [1, 1]} : vector<16x4112xf32> to vector<16x4096xf32>
    %swap3A_480 = arith.constant 15 : index
    %swap3A_481 = arith.constant 0 : index
    %swap3A_482 = arith.constant 0 : index
    %swap3A_483 = vector.load %arg1[%swap3A_480, %swap3A_481, %swap3A_482] : memref<16x16x4096xf32, #tpu.memory_space<vmem>>, vector<1x16x4096xf32>
    %swap3A_484 = vector.shape_cast %swap3A_483 : vector<1x16x4096xf32> to vector<16x4096xf32>
    %swap3A_485 = vector.shape_cast %slice3A_479 : vector<16x4096xf32> to vector<1x16x4096xf32>
    tpu.vector_store %arg1[%swap3A_480, %swap3A_481, %swap3A_482], %swap3A_485 {strides = array<i32>} : memref<16x16x4096xf32, #tpu.memory_space<vmem>>, vector<1x16x4096xf32>,
    return
  }
}

</mosaic_0001>

<sc_bundles>
// kernel: kernel.4.cloned.1.call-start
scs
__scs_entry_jumppad:
0x0: {  	(pc) =	sbr.rel $0x88, $3  }
0x1: {  	(tag) =	ssettag $0x0;
	lr =	simm.s32 $0x1  }
0x2: {  	[smem:$0x3FA0] =	sst lr;
	_ =	strace $0xD0000000  }
0x3: {  	_ = 	snop  }
0x4: {  	_ = 	snop  }
0x5: {  	_ = 	snop  }
0x6: {  	_ = 	snop  }
0x7: {  	_ = 	snop  }
__scs_overlays_trampoline_lowered:
0x8: {  	[smem:$0x3FAF] =	sst s0  }
0x9: {  	[smem:$0x3FB0] =	sst s1  }
0xa: {  	[smem:$0x3FB1] =	sst s2  }
0xb: {  	[smem:$0x3FB2] =	sst s3  }
0xc: {  	[smem:$0x3FB3] =	sst s4  }
0xd: {  	[smem:$0x3FB4] =	sst s5  }
0xe: {  	[smem:$0x3FB5] =	sst s6  }
0xf: {  	[smem:$0x3FB6] =	sst s7  }
0x10: {  	[smem:$0x3FB7] =	sst s8  }
0x11: {  	[smem:$0x3FB8] =	sst s9;
	s0 =	simm.s32 @!p0 $0x0  }
0x12: {  	s1 =	sld [smem:$0x3F9E];
	s0 =	simm.s32 @p0 $0x1  }
0x13: {  	[smem:$0x3FB9] =	sst s0;
	s0 =	simm.s32 @!p1 $0x0  }
0x14: {  	s2 =	sld [smem:$0x3F9D];
	s0 =	simm.s32 @p1 $0x1  }
0x15: {  	[smem:$0x3FBA] =	sst s0;
	s0 =	simm.s32 @!p2 $0x0  }
0x16: {  	s3 =	sld [smem:$0x3FDB];
	s0 =	simm.s32 @p2 $0x1  }
0x17: {  	s4 =	simm.s32 $0x1BF5;
	[smem:$0x3FBC] =	sst s0  }
0x18: {  	s0 =	sld [smem:$0x3F9F];
	_ =	swait.ge [sflag:s4], $0x0  }
0x19: {  	s7 =	sld [smem:$0x3FA0]  }
0x1a: {  	s8 =	sadd.s32 $0xFFFFE003, lr  }
0x1b: {  	s9 =	sadd.s32 $0xFFFFFEF7, lr;
	s5 =	simm.s32 $0xFFFFFFFF;
	p2 =	slt.u32 s8, $0xFFFFF086  }
0x1c: {  	p1 =	slt.u32 s9, $0xF7A;
	s5 =	simm.s32 @!p2 $0x0  }
0x1d: {  	s5 =	simm.s32 @p1 $0x1;
	p0 =	seq.s32 s7, s2  }
0x1e: {  	s7 =	smul.u32 @!p0 $0xF7A, s2;
	p2 =	seq.s32 @!p0 s5, $0x0  }
0x1f: {  	s9 =	smul.u32 $0xF7A, s1;
	s8 =	simm.s32 @!p0 $0x1BF5;
	p2 =	por !p2, p0  }
0x20: {  	[sflag:s8] =	ssyncset.s32 @!p0 $0xFFFFF086;
	s6 =	sadd.s32 @!p0 s3, s7;
	s7 =	simm.s32 @!p0 $0x108  }
0x21: {  	s3 =	sadd.s32 s3, s9;
	s6 =	sadd.s32 @!p0 $0x88, s6;
	s7 =	simm.s32 @p2 $0x1082  }
0x22: {  	[simem:s7], [sflag:s8] =	dma.local @!p0 [hbm:s6], $0xF7A  }
0x23: {  	s9 =	sor.u32 $0xD0000000, s2;
	s6 =	simm.s32 $0x108;
	_ =	swait.ge @!p0 [sflag:s8], $0x0  }
0x24: {  	s3 =	sadd.s32 $0x88, s3;
	s6 =	simm.s32 @!p1 $0x1082;
	[sflag:s4] =	ssyncset.s32 $0xFFFFF086  }
0x25: {  	[simem:s6], [sflag:s4] =	dma.local [hbm:s3], $0xF7A  }
0x26: {  	[smem:$0x3FA0] =	sst s1;
	(tag) =	ssettag s2;
	_ =	strace s9  }
0x27: {  	s1 =	sld [smem:$0x3FB0]  }
0x28: {  	s2 =	sld [smem:$0x3FB1]  }
0x29: {  	s4 =	sld [smem:$0x3FB3]  }
0x2a: {  	p0 =	seq.s32 s5, $0x0;
	s5 =	sld [smem:$0x3FB4]  }
0x2b: {  	s6 =	sld [smem:$0x3FB5]  }
0x2c: {  	s7 =	sld [smem:$0x3FB6]  }
0x2d: {  	s3 =	simm.s32 $0x108;
	s8 =	sld [smem:$0x3FB7]  }
0x2e: {  	s3 =	simm.s32 @!p0 $0x1082;
	s9 =	sld [smem:$0x3FB8]  }
0x2f: {  	lr =	sadd.s32 s0, s3;
	s0 =	sld [smem:$0x3FAF]  }
0x30: {  	s3 =	sld [smem:$0x3FB2]  }
0x31: {  	[smem:$0x3FBB] =	sst s10  }
0x32: {  	s10 =	sld [smem:$0x3FB9];
	_ =	sdelay $0x3  }
0x33: {  	p0 =	seq.s32 s10, $0x1;
	s10 =	sld [smem:$0x3FBB];
	_ =	sdelay $0x3  }
0x34: {  	[smem:$0x3FBB] =	sst s10  }
0x35: {  	s10 =	sld [smem:$0x3FBA];
	_ =	sdelay $0x3  }
0x36: {  	p1 =	seq.s32 s10, $0x1;
	s10 =	sld [smem:$0x3FBB];
	_ =	sdelay $0x3  }
0x37: {  	[smem:$0x3FBB] =	sst s10  }
0x38: {  	s10 =	sld [smem:$0x3FBC]  }
0x39: {  	_ = 	snop;
	(pc) =	sbr.ind lr, $3  }
0x3a: {  	_ = 	snop  }
0x3b: {  	_ = 	snop  }
0x3c: {  	p2 =	seq.s32 s10, $0x1;
	s10 =	sld [smem:$0x3FBB]  }
0x3d: {  	_ =	shalt  }
0x3e: {  	_ =	shalt  }
0x3f: {  	_ =	shalt  }
0x40: {  	_ =	shalt  }
0x41: {  	_ =	shalt  }
0x42: {  	_ =	shalt  }
0x43: {  	_ =	shalt  }
0x44: {  	_ =	shalt  }
0x45: {  	_ =	shalt  }
0x46: {  	_ =	shalt  }
0x47: {  	_ =	shalt  }
0x48: {  	_ =	shalt  }
0x49: {  	_ =	shalt  }
0x4a: {  	_ =	shalt  }
0x4b: {  	_ =	shalt  }
0x4c: {  	_ =	shalt  }
0x4d: {  	_ =	shalt  }
0x4e: {  	_ =	shalt  }
0x4f: {  	_ =	shalt  }
0x50: {  	_ =	shalt  }
0x51: {  	_ =	shalt  }
0x52: {  	_ =	shalt  }
0x53: {  	_ =	shalt  }
0x54: {  	_ =	shalt  }
0x55: {  	_ =	shalt  }
0x56: {  	_ =	shalt  }
0x57: {  	_ =	shalt  }
0x58: {  	_ =	shalt  }
0x59: {  	_ =	shalt  }
0x5a: {  	_ =	shalt  }
0x5b: {  	_ =	shalt  }
0x5c: {  	_ =	shalt  }
0x5d: {  	_ =	shalt  }
0x5e: {  	_ =	shalt  }
0x5f: {  	_ =	shalt  }
0x60: {  	_ =	shalt  }
0x61: {  	_ =	shalt  }
0x62: {  	_ =	shalt  }
0x63: {  	_ =	shalt  }
0x64: {  	_ =	shalt  }
0x65: {  	_ =	shalt  }
0x66: {  	_ =	shalt  }
0x67: {  	_ =	shalt  }
0x68: {  	_ =	shalt  }
0x69: {  	_ =	shalt  }
0x6a: {  	_ =	shalt  }
0x6b: {  	_ =	shalt  }
0x6c: {  	_ =	shalt  }
0x6d: {  	_ =	shalt  }
0x6e: {  	_ =	shalt  }
0x6f: {  	_ =	shalt  }
0x70: {  	_ =	shalt  }
0x71: {  	_ =	shalt  }
0x72: {  	_ =	shalt  }
0x73: {  	_ =	shalt  }
0x74: {  	_ =	shalt  }
0x75: {  	_ =	shalt  }
0x76: {  	_ =	shalt  }
0x77: {  	_ =	shalt  }
0x78: {  	_ =	shalt  }
0x79: {  	_ =	shalt  }
0x7a: {  	_ =	shalt  }
0x7b: {  	_ =	shalt  }
0x7c: {  	_ =	shalt  }
0x7d: {  	_ =	shalt  }
0x7e: {  	_ =	shalt  }
0x7f: {  	_ =	shalt  }
0x80: {  	_ =	shalt  }
0x81: {  	_ =	shalt  }
0x82: {  	_ =	shalt  }
0x83: {  	_ =	shalt  }
0x84: {  	_ =	shalt  }
0x85: {  	_ =	shalt  }
0x86: {  	_ =	shalt  }
0x87: {  	_ =	shalt  }
.Lfunc_end0:
.L_simem_size_0:
called_computation_lowered:
.L_overlay_start_0:
0x88: {  	s2 =	sld [smem:$0x3FD9]  }
0x89: {  	s3 =	sld [smem:$0x3FFE];
	_ =	sdelay $0x1  }
0x8a: {  	s1 =	srdreg.scid  }
0x8b: {  	s0 =	sand.u32 $0x1, s1  }
0x8c: {  	s17 =	sshll.u32 s0, $0xA;
	s2 =	sadd.s32 s3, s2  }
0x8d: {  	s2 =	sadd.s32 s2, s17  }
0x8e: {  	[smem:$0x3FC7] =	sst s2  }
0x8f: {  	_ = 	snop  }
0x90: {  	s2 =	sld [smem:$0x3FD0];
	(tm) =	ssettm $0x1  }
0x91: {  	s18 =	sld [smem:$0x3FFB];
	_ =	sdelay $0x3  }
0x92: {  	_ =	strace s18  }
0x93: {  	s3 =	sld [smem:$0x3FFC];
	_ =	sdelay $0x3  }
0x94: {  	_ =	strace s3  }
0x95: {  	s3 =	sld [smem:$0x3FFD];
	_ =	sdelay $0x3  }
0x96: {  	_ =	strace s3  }
0x97: {  	_ =	strace $0x8FFFFFFF  }
0x98: {  	s19 =	sld [smem:$0x3FDB];
	_ =	sdelay $0x1  }
0x99: {  	s4 =	simm.s32 $_scs_section_size  }
0x9a: {  	s5 =	simm.s32 $_size__tile_overlayer_lowered;
	s6 =	simm.s32 $_tile_overlayer_lowered  }
0x9b: {  	s22 =	simm.s32 $0x1BFF;
	s21 =	sshll.u32 s6, $0x1;
	s3 =	sadd.s32 s4, s19  }
0x9c: {  	s7 =	simm.s32 $0x0;
	s20 =	sshll.u32 s5, $0x1;
	s5 =	sadd.s32 s21, s3  }
0x9d: {  	[timem:s7], [sflag:s22] =	dma.local [hbm:s5], s20  }
0x9e: {  	_ =	swait.ge [sflag:s22], s20  }
0x9f: {  	s4 =	ssub.s32 $0x0, s20;
	[sflag:s22] =	ssyncset.done $0x0  }
0xa0: {  	[sflag:s22] =	ssyncadd.s32 s4;
	_ =	sdelay $0x1  }
0xa1: {  	s23 =	simm.s32 $0x1B8B  }
0xa2: {  	_ =	swait.ge [sflag:s23], $0x1  }
0xa3: {  	[sflag:s23] =	ssyncset.done $0x0  }
0xa4: {  	s25 =	simm.s32 $0x1B8E;
	s24 =	sld [smem:$0x3FFE];
	[sflag:s23] =	ssyncadd.s32 $0xFFFFFFFF  }
0xa5: {  	s26 =	simm.s32 $execute0_lowered;
	[smem:$0x3FD2] =	sst s25  }
0xa6: {  	s5 =	sshll.u32 s26, $0x1;
	_ =	strace $0x80000046;
	[dreg:$0x1] =	wrdreg $0xFFFFFFFF  }
0xa7: {  	s28 =	simm.s32 $_size_execute0_lowered;
	s3 =	sadd.s32 s3, s5;
	[dreg:$0x0] =	wrdreg $0x0  }
0xa8: {  	s5 =	sshll.u32 s28, $0x1;
	[dreg:$0x2] =	wrdreg s3  }
0xa9: {  	[dreg:$0x3] =	wrdreg s5  }
0xaa: {  	[dreg:$0x4] =	wrdreg $0xC0  }
0xab: {  	_ =	task [dreg:s7], $0x5FFFF  }
0xac: {  	[dreg:$0x1] =	wrdreg $0xFFFFFFFF  }
0xad: {  	[dreg:$0x0] =	wrdreg $0x60  }
0xae: {  	[dreg:$0x2] =	wrdreg s2  }
0xaf: {  	[dreg:$0x3] =	wrdreg s24  }
0xb0: {  	[dreg:$0x4] =	wrdreg $0x0  }
0xb1: {  	[dreg:$0x5] =	wrdreg $0x9  }
0xb2: {  	_ =	task.clear_ibuf [dreg:s7], $0x6FFFF;
	_ =	strace $0x90000046  }
0xb3: {  	s29 =	simm.s32 $0x9;
	_ =	strace $0x80000048  }
0xb4: {  	_ =	swait.ge [sflag:s29], $0x1  }
0xb5: {  	[sflag:s29] =	ssyncadd.s32 $0xFFFFFFFF  }
0xb6: {  	_ =	strace $0x90000048  }
0xb7: {  	_ =	sfence  }
0xb8: {  	s30 =	sld [smem:$0x0];
	_ =	sdelay $0x2  }
0xb9: {  	s31 =	sshll.u32 s1, $0xD;
	s1 =	sshrl.u32 s1, $0x2  }
0xba: {  	s3 =	sand.u32 $0x4000, s31;
	s1 =	sadd.s32 s1, s30  }
0xbb: {  	s0 =	sor.u32 s3, s0;
	s1 =	sshll.u32 s1, $0x11  }
0xbc: {  	s0 =	sor.u32 s1, s0  }
0xbd: {  	s0 =	sadd.s32 $0x8F2B, s0  }
0xbe: {  	[sflag:s0] =	ssyncadd.remote.s32 $0x1  }
0xbf: {  	_ =	sfence.sel $0xFFFF  }
0xc0: {  	[dreg:$0x0] =	wrdreg $0xFFFFFFFF;
	(pc) =	sbr.abs _section_cstart, $3  }
0xc1: {  	[dreg:$0x1] =	wrdreg $0xFFFFFFFF  }
0xc2: {  	_ =	task.clear_ibuf [dreg:s7], $0x2FFFF;
	_ =	strace $0x9FFFFFFF  }
0xc3: {  	(tm) =	ssettm $0x7FFFFFFF  }
tec
execute0_lowered:
.L_overlay_start_1:
0x0: {  	(tag) =	ssettag $0x1  }
0x1: {  	s3 =	rddreg [dreg:$0x0]  }
0x2: {  	s4 =	rddreg [dreg:$0x1]  }
0x3: {  	s6 =	rddreg [dreg:$0x2]  }
0x4: {  	s1 =	simm.s32 $0x0;
	s5 =	srdreg.scid;
	s0 =	stileid.u32  }
0x5: {  	s20 =	simm.s32 $0x80000;
	s22 =	simm.s32 $0x200;
	[smem:$0x7FF] =	sst s1  }
0x6: {  	s5 =	sand.u32 $0x1, s5;
	s7 =	sshll.u32 s0, $0xF;
	s9 =	sshll.u32 s0, $0x10  }
0x7: {  	s25 =	sshll.u32 s0, $0xD;
	s10 =	sshll.u32 s0, $0x9;
	s11 =	sshll.u32 s0, $0x6  }
0x8: {  	_ =	strace $0x80000047;
	s8 =	ssub.s32 $0x2, s5;
	s7 =	sadd.s32 s7, s4  }
0x9: {  	s9 =	sadd.s32 s9, s6;
	s2 =	sadd.s32 s3, s25;
	s26 =	sshll.u32 s5, $0x8  }
0xa: {  	s5 =	sshll.u32 s5, $0xE;
	s0 =	sor.u32 $0x1C02, s11;
	[dreg:$0xf] =	wrdreg s2  }
0xb: {  	s24 =	sshrl.u32 s8, $0x1;
	s10 =	sor.u32 s10, s26;
	[dreg:$0x10] =	wrdreg s0  }
0xc: {  	s7 =	sadd.s32 s5, s7;
	s31 =	sshrl.u32 s9, $0x3;
	s8 =	ssub.s32 s8, s24  }
0xd: {  	s10 =	sxor.u32 $0x201FC0, s10;
	s7 =	sadd.s32 $0x400, s7;
	[dreg:$0x13] =	wrdreg s31  }
0xe: {  	s28 =	smax.u32 s8, $0x1;
	s29 =	sshrl.u32 s10, $0x2;
	[dreg:$0x4] =	wrdreg s7  }
0xf: {  	s13 =	simm.s32 $0x1;
	[dreg:$0x11] =	wrdreg s28;
	s30 =	sadd.s32 s29, s6  }
0x10: {  	s9 =	sor.u32 $0x1C01, s11;
	s24 =	simm.s32 $0x10;
	[dreg:$0x12] =	wrdreg s30  }
.LBB2_1:
0x11: {  	[dreg:$0xe] =	wrdreg s1  }
0x12: {  	s0 =	rddreg [dreg:$0xf]  }
0x13: {  	s19 =	rddreg [dreg:$0x10]  }
0x14: {  	s2 =	rddreg [dreg:$0x13];
	s21 =	simm.s32 $0x2  }
0x15: {  	[spmem:s2], [sflag:s19] =	dma.local [hbm:s0], $0x2000  }
0x16: {  	_ =	swait.ge [sflag:s21], $0x2000  }
0x17: {  	[sflag:s21] =	ssyncset.done $0x0  }
0x18: {  	[sflag:s21] =	ssyncadd.s32 $0xFFFFE000  }
0x19: {  	[bflag:$0x0] =	sbarrier.arrive $0xFFFF  }
0x1a: {  	s14 =	rddreg [dreg:$0x4]  }
0x1b: {  	s0 =	rddreg [dreg:$0x12]  }
0x1c: {  	s15 =	sadd.s32 $0x70000, s0;
	s16 =	sadd.s32 $0x60000, s0;
	s14 =	sadd.s32 $0x0, s14  }
0x1d: {  	s26 =	sadd.s32 $0x50000, s0;
	s29 =	sadd.s32 $0x40000, s0;
	s31 =	sadd.s32 $0x30000, s0  }
0x1e: {  	s2 =	sadd.s32 $0x20000, s0;
	s15 =	sshrl.u32 s15, $0x3;
	s23 =	sshrl.u32 s16, $0x3  }
0x1f: {  	[hbm:s14@s20], [sflag:s9] =	dma.strided [spmem:s15@s22], $0x1000, s24, $0x10   }
0x20: {  	s25 =	sadd.s32 $0x100, s14;
	s28 =	sadd.s32 $0x200, s14;
	s15 =	sshrl.u32 s26, $0x3  }
0x21: {  	[hbm:s25@s20], [sflag:s9] =	dma.strided [spmem:s23@s22], $0x1000, s24, $0x10   }
0x22: {  	[hbm:s28@s20], [sflag:s9] =	dma.strided [spmem:s15@s22], $0x1000, s24, $0x10   }
0x23: {  	s4 =	sadd.s32 $0x10000, s0;
	s30 =	sadd.s32 $0x300, s14;
	s15 =	sshrl.u32 s29, $0x3  }
0x24: {  	[hbm:s30@s20], [sflag:s9] =	dma.strided [spmem:s15@s22], $0x1000, s24, $0x10   }
0x25: {  	s6 =	sshrl.u32 s0, $0x3;
	s1 =	sadd.s32 $0x400, s14;
	s15 =	sshrl.u32 s31, $0x3  }
0x26: {  	[hbm:s1@s20], [sflag:s9] =	dma.strided [spmem:s15@s22], $0x1000, s24, $0x10   }
0x27: {  	s8 =	sadd.s32 $0xFFFF0000, s0;
	s3 =	sadd.s32 $0x500, s14;
	s15 =	sshrl.u32 s2, $0x3  }
0x28: {  	[hbm:s3@s20], [sflag:s9] =	dma.strided [spmem:s15@s22], $0x1000, s24, $0x10   }
0x29: {  	s11 =	sadd.s32 $0xFFFE0000, s0;
	s5 =	sadd.s32 $0x600, s14;
	s15 =	sshrl.u32 s4, $0x3  }
0x2a: {  	[hbm:s5@s20], [sflag:s9] =	dma.strided [spmem:s15@s22], $0x1000, s24, $0x10   }
0x2b: {  	s7 =	sadd.s32 $0x700, s14;
	s10 =	sadd.s32 $0x800, s14;
	s15 =	sshrl.u32 s8, $0x3  }
0x2c: {  	[hbm:s7@s20], [sflag:s9] =	dma.strided [spmem:s6@s22], $0x1000, s24, $0x10   }
0x2d: {  	[hbm:s10@s20], [sflag:s9] =	dma.strided [spmem:s15@s22], $0x1000, s24, $0x10   }
0x2e: {  	s17 =	sadd.s32 $0xFFFD0000, s0;
	s12 =	sadd.s32 $0x900, s14;
	s15 =	sshrl.u32 s11, $0x3  }
0x2f: {  	[hbm:s12@s20], [sflag:s9] =	dma.strided [spmem:s15@s22], $0x1000, s24, $0x10   }
0x30: {  	s19 =	sadd.s32 $0xFFFC0000, s0;
	s18 =	sadd.s32 $0xA00, s14;
	s15 =	sshrl.u32 s17, $0x3  }
0x31: {  	[hbm:s18@s20], [sflag:s9] =	dma.strided [spmem:s15@s22], $0x1000, s24, $0x10   }
0x32: {  	s21 =	sadd.s32 $0xB00, s14;
	s23 =	sadd.s32 $0xFFFB0000, s0;
	s15 =	sshrl.u32 s19, $0x3  }
0x33: {  	[hbm:s21@s20], [sflag:s9] =	dma.strided [spmem:s15@s22], $0x1000, s24, $0x10   }
0x34: {  	s26 =	sadd.s32 $0xFFFA0000, s0;
	s25 =	sadd.s32 $0xC00, s14;
	s15 =	sshrl.u32 s23, $0x3  }
0x35: {  	[hbm:s25@s20], [sflag:s9] =	dma.strided [spmem:s15@s22], $0x1000, s24, $0x10   }
0x36: {  	s28 =	sadd.s32 $0xD00, s14;
	s29 =	sadd.s32 $0xFFF90000, s0;
	s15 =	sshrl.u32 s26, $0x3  }
0x37: {  	[hbm:s28@s20], [sflag:s9] =	dma.strided [spmem:s15@s22], $0x1000, s24, $0x10   }
0x38: {  	s30 =	sadd.s32 $0xE00, s14;
	s31 =	sadd.s32 $0xFFF80000, s0;
	s15 =	sshrl.u32 s29, $0x3  }
0x39: {  	[hbm:s30@s20], [sflag:s9] =	dma.strided [spmem:s15@s22], $0x1000, s24, $0x10   }
0x3a: {  	s14 =	sadd.s32 $0xF00, s14;
	s15 =	sshrl.u32 s31, $0x3  }
0x3b: {  	[hbm:s14@s20], [sflag:s9] =	dma.strided [spmem:s15@s22], $0x1000, s24, $0x10   }
0x3c: {  	_ =	swait.ge [sflag:s13], $0x1000  }
0x3d: {  	[sflag:s13] =	ssyncset.done $0x0  }
0x3e: {  	[sflag:s13] =	ssyncadd.s32 $0xFFFFF000  }
0x3f: {  	_ =	swait.ge [sflag:s13], $0x1000  }
0x40: {  	[sflag:s13] =	ssyncset.done $0x0  }
0x41: {  	[sflag:s13] =	ssyncadd.s32 $0xFFFFF000  }
0x42: {  	_ =	swait.ge [sflag:s13], $0x1000  }
0x43: {  	[sflag:s13] =	ssyncset.done $0x0  }
0x44: {  	[sflag:s13] =	ssyncadd.s32 $0xFFFFF000  }
0x45: {  	_ =	swait.ge [sflag:s13], $0x1000  }
0x46: {  	[sflag:s13] =	ssyncset.done $0x0  }
0x47: {  	[sflag:s13] =	ssyncadd.s32 $0xFFFFF000  }
0x48: {  	_ =	swait.ge [sflag:s13], $0x1000  }
0x49: {  	[sflag:s13] =	ssyncset.done $0x0  }
0x4a: {  	[sflag:s13] =	ssyncadd.s32 $0xFFFFF000  }
0x4b: {  	_ =	swait.ge [sflag:s13], $0x1000  }
0x4c: {  	[sflag:s13] =	ssyncset.done $0x0  }
0x4d: {  	[sflag:s13] =	ssyncadd.s32 $0xFFFFF000  }
0x4e: {  	_ =	swait.ge [sflag:s13], $0x1000  }
0x4f: {  	[sflag:s13] =	ssyncset.done $0x0  }
0x50: {  	[sflag:s13] =	ssyncadd.s32 $0xFFFFF000  }
0x51: {  	_ =	swait.ge [sflag:s13], $0x1000  }
0x52: {  	[sflag:s13] =	ssyncset.done $0x0  }
0x53: {  	[sflag:s13] =	ssyncadd.s32 $0xFFFFF000  }
0x54: {  	_ =	swait.ge [sflag:s13], $0x1000  }
0x55: {  	[sflag:s13] =	ssyncset.done $0x0  }
0x56: {  	[sflag:s13] =	ssyncadd.s32 $0xFFFFF000  }
0x57: {  	_ =	swait.ge [sflag:s13], $0x1000  }
0x58: {  	[sflag:s13] =	ssyncset.done $0x0  }
0x59: {  	[sflag:s13] =	ssyncadd.s32 $0xFFFFF000  }
0x5a: {  	s14 =	simm.s32 $0x1000;
	s15 =	sadd.s32 $0xFFFFFFF0, s0;
	_ =	swait.ge [sflag:s13], $0x1000  }
.LBB2_2:
0x5b: {  	s19 =	sadd.s32 $0x40000, s15;
	s17 =	sadd.s32 $0x10000, s15  }
0x5c: {  	[sflag:s13] =	ssyncset.done $0x0;
	s20 =	sadd.s32 $0x60000, s15;
	s16 =	sadd.s32 $0x70000, s15  }
0x5d: {  	s22 =	sadd.s32 $0x50000, s15;
	[sflag:s13] =	ssyncadd.s32 $0xFFFFF000;
	s0 =	sshrl.u32 s16, $0x3  }
0x5e: {  	s11 =	sshrl.u32 s15, $0x3;
	_ =	swait.ge [sflag:s13], $0x1000;
	[dreg:$0x7] =	wrdreg s0  }
0x5f: {  	s23 =	sadd.s32 $0x20000, s15;
	s12 =	sshrl.u32 s17, $0x3;
	[dreg:$0x5] =	wrdreg s11  }
0x60: {  	s16 =	sshrl.u32 s20, $0x3;
	[dreg:$0x6] =	wrdreg s12;
	[sflag:s13] =	ssyncset.done $0x0  }
0x61: {  	s17 =	sshrl.u32 s22, $0x3;
	[dreg:$0xa] =	wrdreg s16;
	[sflag:s13] =	ssyncadd.s32 $0xFFFFF000  }
0x62: {  	s18 =	sshrl.u32 s23, $0x3;
	_ =	swait.ge [sflag:s13], $0x1000;
	[dreg:$0xb] =	wrdreg s17  }
0x63: {  	s25 =	sadd.s32 $0xFFFF0000, s15;
	s19 =	sshrl.u32 s19, $0x3;
	[dreg:$0x9] =	wrdreg s18  }
0x64: {  	s20 =	sshrl.u32 s25, $0x3;
	[dreg:$0xc] =	wrdreg s19;
	[sflag:s13] =	ssyncset.done $0x0  }
0x65: {  	[dreg:$0x8] =	wrdreg s20;
	[sflag:s13] =	ssyncadd.s32 $0xFFFFF000  }
0x66: {  	s24 =	smov.u32 s14;
	s26 =	sadd.s32 $0x30000, s15;
	_ =	swait.ge [sflag:s13], $0x1000  }
0x67: {  	s21 =	sadd.s32 $0xFFFE0000, s15;
	s1 =	sadd.s32 $0xFFF90000, s15;
	[sflag:s13] =	ssyncset.done $0x0  }
0x68: {  	s3 =	sadd.s32 $0xFFF80000, s15;
	s28 =	sshrl.u32 s26, $0x3;
	[sflag:s13] =	ssyncadd.s32 $0xFFFFF000  }
0x69: {  	s22 =	sshrl.u32 s21, $0x3;
	s23 =	sadd.s32 $0xFFFD0000, s15;
	_ =	swait.ge [sflag:s13], $0x1000  }
0x6a: {  	s25 =	sadd.s32 $0xFFFA0000, s15;
	s26 =	sshrl.u32 s23, $0x3;
	[sflag:s13] =	ssyncset.done $0x0  }
0x6b: {  	s16 =	sshrl.u32 s3, $0x3;
	[dreg:$0xd] =	wrdreg s22;
	[sflag:s13] =	ssyncadd.s32 $0xFFFFF000  }
0x6c: {  	s23 =	simm.s32 $0x200;
	s19 =	sshrl.u32 s25, $0x3;
	_ =	swait.ge [sflag:s13], $0x1000  }
0x6d: {  	s17 =	sshrl.u32 s1, $0x3;
	s20 =	simm.s32 $0x10;
	s31 =	rddreg [dreg:$0x4]  }
0x6e: {  	s22 =	simm.s32 $0x80000;
	[sflag:s13] =	ssyncset.done $0x0;
	s24 =	sadd.s32 s24, s31  }
0x6f: {  	s25 =	rddreg [dreg:$0x7];
	[sflag:s13] =	ssyncadd.s32 $0xFFFFF000;
	s31 =	sadd.s32 $0x100, s24  }
0x70: {  	s4 =	sadd.s32 $0x800, s24;
	s5 =	sadd.s32 $0xE00, s24;
	s7 =	sadd.s32 $0x200, s24  }
0x71: {  	s8 =	sadd.s32 $0x400, s24;
	s3 =	sadd.s32 $0xF00, s24;
	s6 =	sadd.s32 $0x300, s24  }
0x72: {  	s10 =	sadd.s32 $0xC00, s24;
	s18 =	sadd.s32 $0xD00, s24;
	s21 =	sadd.s32 $0x600, s24  }
0x73: {  	s11 =	sadd.s32 $0xA00, s24;
	s12 =	sadd.s32 $0xB00, s24;
	s0 =	sadd.s32 $0x500, s24  }
0x74: {  	[hbm:s24@s22], [sflag:s9] =	dma.strided [spmem:s25@s23], $0x1000, s20, $0x10   }
0x75: {  	s1 =	sadd.s32 $0x700, s24;
	s2 =	sadd.s32 $0x900, s24;
	s22 =	simm.s32 $0x200  }
0x76: {  	s20 =	simm.s32 $0x80000;
	s24 =	simm.s32 $0x10;
	s23 =	rddreg [dreg:$0xa]  }
0x77: {  	[hbm:s31@s20], [sflag:s9] =	dma.strided [spmem:s23@s22], $0x1000, s24, $0x10   }
0x78: {  	s23 =	rddreg [dreg:$0xb]  }
0x79: {  	[hbm:s7@s20], [sflag:s9] =	dma.strided [spmem:s23@s22], $0x1000, s24, $0x10   }
0x7a: {  	s7 =	rddreg [dreg:$0xc]  }
0x7b: {  	[hbm:s6@s20], [sflag:s9] =	dma.strided [spmem:s7@s22], $0x1000, s24, $0x10   }
0x7c: {  	[hbm:s8@s20], [sflag:s9] =	dma.strided [spmem:s28@s22], $0x1000, s24, $0x10   }
0x7d: {  	s31 =	rddreg [dreg:$0x9]  }
0x7e: {  	[hbm:s0@s20], [sflag:s9] =	dma.strided [spmem:s31@s22], $0x1000, s24, $0x10   }
0x7f: {  	s0 =	rddreg [dreg:$0x6]  }
0x80: {  	[hbm:s21@s20], [sflag:s9] =	dma.strided [spmem:s0@s22], $0x1000, s24, $0x10   }
0x81: {  	s0 =	rddreg [dreg:$0x5]  }
0x82: {  	[hbm:s1@s20], [sflag:s9] =	dma.strided [spmem:s0@s22], $0x1000, s24, $0x10   }
0x83: {  	s29 =	sadd.s32 $0xFFFC0000, s15;
	s30 =	sadd.s32 $0xFFFB0000, s15;
	s0 =	rddreg [dreg:$0x8]  }
0x84: {  	[hbm:s4@s20], [sflag:s9] =	dma.strided [spmem:s0@s22], $0x1000, s24, $0x10   }
0x85: {  	s29 =	sshrl.u32 s29, $0x3;
	s30 =	sshrl.u32 s30, $0x3;
	s0 =	rddreg [dreg:$0xd]  }
0x86: {  	[hbm:s2@s20], [sflag:s9] =	dma.strided [spmem:s0@s22], $0x1000, s24, $0x10   }
0x87: {  	[hbm:s11@s20], [sflag:s9] =	dma.strided [spmem:s26@s22], $0x1000, s24, $0x10   }
0x88: {  	[hbm:s12@s20], [sflag:s9] =	dma.strided [spmem:s29@s22], $0x1000, s24, $0x10   }
0x89: {  	[hbm:s10@s20], [sflag:s9] =	dma.strided [spmem:s30@s22], $0x1000, s24, $0x10   }
0x8a: {  	[hbm:s18@s20], [sflag:s9] =	dma.strided [spmem:s19@s22], $0x1000, s24, $0x10   }
0x8b: {  	[hbm:s5@s20], [sflag:s9] =	dma.strided [spmem:s17@s22], $0x1000, s24, $0x10   }
0x8c: {  	[hbm:s3@s20], [sflag:s9] =	dma.strided [spmem:s16@s22], $0x1000, s24, $0x10   }
0x8d: {  	_ =	swait.ge [sflag:s13], $0x1000  }
0x8e: {  	[sflag:s13] =	ssyncset.done $0x0  }
0x8f: {  	[sflag:s13] =	ssyncadd.s32 $0xFFFFF000  }
0x90: {  	_ =	swait.ge [sflag:s13], $0x1000  }
0x91: {  	[sflag:s13] =	ssyncset.done $0x0  }
0x92: {  	[sflag:s13] =	ssyncadd.s32 $0xFFFFF000  }
0x93: {  	_ =	swait.ge [sflag:s13], $0x1000  }
0x94: {  	[sflag:s13] =	ssyncset.done $0x0  }
0x95: {  	[sflag:s13] =	ssyncadd.s32 $0xFFFFF000  }
0x96: {  	_ =	swait.ge [sflag:s13], $0x1000  }
0x97: {  	[sflag:s13] =	ssyncset.done $0x0  }
0x98: {  	[sflag:s13] =	ssyncadd.s32 $0xFFFFF000  }
0x99: {  	_ =	swait.ge [sflag:s13], $0x1000  }
0x9a: {  	[sflag:s13] =	ssyncset.done $0x0  }
0x9b: {  	[sflag:s13] =	ssyncadd.s32 $0xFFFFF000  }
0x9c: {  	_ =	swait.ge [sflag:s13], $0x1000  }
0x9d: {  	[sflag:s13] =	ssyncset.done $0x0  }
0x9e: {  	[sflag:s13] =	ssyncadd.s32 $0xFFFFF000  }
0x9f: {  	_ =	swait.ge [sflag:s13], $0x1000  }
0xa0: {  	[sflag:s13] =	ssyncset.done $0x0  }
0xa1: {  	[sflag:s13] =	ssyncadd.s32 $0xFFFFF000  }
0xa2: {  	_ =	swait.ge [sflag:s13], $0x1000  }
0xa3: {  	[sflag:s13] =	ssyncset.done $0x0  }
0xa4: {  	[sflag:s13] =	ssyncadd.s32 $0xFFFFF000  }
0xa5: {  	_ =	swait.ge [sflag:s13], $0x1000  }
0xa6: {  	p0 =	sne.s32 s14, $0x3000;
	[sflag:s13] =	ssyncset.done $0x0  }
.Ltmp0:
0xa7: {  	[sflag:s13] =	ssyncadd.s32 $0xFFFFF000;
	(pc) =	sbr.rel @p0 .LBB2_2-.Ltmp0, $4  }
0xa8: {  	_ =	swait.ge [sflag:s13], $0x1000  }
0xa9: {  	[sflag:s13] =	ssyncset.done $0x0  }
0xaa: {  	[sflag:s13] =	ssyncadd.s32 $0xFFFFF000  }
0xab: {  	s14 =	sadd.s32 $0x1000, s14;
	s15 =	sadd.s32 $0xFFFFFFF0, s15;
	_ =	swait.ge [sflag:s13], $0x1000  }
0xac: {  	[sflag:s13] =	ssyncset.done $0x0  }
0xad: {  	[sflag:s13] =	ssyncadd.s32 $0xFFFFF000  }
0xae: {  	_ =	swait.ge [sflag:s13], $0x1000  }
0xaf: {  	[sflag:s13] =	ssyncset.done $0x0  }
0xb0: {  	[sflag:s13] =	ssyncadd.s32 $0xFFFFF000  }
0xb1: {  	_ =	swait.ge [sflag:s13], $0x1000  }
0xb2: {  	[sflag:s13] =	ssyncset.done $0x0  }
0xb3: {  	[sflag:s13] =	ssyncadd.s32 $0xFFFFF000  }
0xb4: {  	_ =	swait.ge [sflag:s13], $0x1000  }
0xb5: {  	[sflag:s13] =	ssyncset.done $0x0  }
0xb6: {  	[sflag:s13] =	ssyncadd.s32 $0xFFFFF000  }
0xb7: {  	_ =	swait.ge [sflag:s13], $0x1000  }
0xb8: {  	[sflag:s13] =	ssyncset.done $0x0  }
0xb9: {  	[sflag:s13] =	ssyncadd.s32 $0xFFFFF000  }
0xba: {  	_ =	swait.ge [sflag:s13], $0x1000  }
0xbb: {  	s1 =	rddreg [dreg:$0xe]  }
0xbc: {  	s0 =	rddreg [dreg:$0x11];
	s1 =	sadd.s32 $0x1, s1  }
0xbd: {  	p0 =	sne.s32 s1, s0  }
.Ltmp1:
0xbe: {  	_ = 	snop;
	(pc) =	sbr.rel @p0 .LBB2_1-.Ltmp1, $3  }
0xbf: {  	_ =	sdelay $0x1  }
0xc0: {  	[sflag:s13] =	ssyncset.done $0x0  }
0xc1: {  	[sflag:s13] =	ssyncadd.s32 $0xFFFFF000  }
0xc2: {  	_ =	sfence.sel $0x180000  }
0xc3: {  	[bflag:$0x0] =	sbarrier.arrive $0xFFFF  }
0xc4: {  	_ =	strace $0x90000047  }
0xc5: {  	s0 =	stileid.u32;
	[bflag:$0x2] =	sbarrier.arrive $0xFFFF  }
0xc6: {  	p0 =	sne.s32 s0, $0x0;
	s0 =	rddreg [dreg:$0x3]  }
0xc7: {  	s0 =	sadd.s32 @!p0 $0x100000, s0  }
0xc8: {  	[sflag:s0] =	ssyncadd.tile.s32 @!p0 $0x1;
	_ =	shalt  }
.Lfunc_end2:
_tile_overlayer_lowered:
.L_overlay_start_2:
0xc9: {  	(tag) =	ssettag $0x2  }
0xca: {  	s0 =	rddreg [dreg:$0x0];
	s2 =	stileid.u32  }
0xcb: {  	s1 =	rddreg [dreg:$0x1];
	p0 =	sne.s32 s2, $0x0  }
0xcc: {  	s3 =	rddreg [dreg:$0x2];
	[bflag:$0x3] =	sbarrier.arrive $0xFFFF;
	s2 =	simm.s32 @!p0 $0x1C02  }
0xcd: {  	[timem:s3], [sflag:s2] =	dma.local @!p0 [hbm:s0], s1  }
0xce: {  	s0 =	simm.s32 @!p0 $0x2  }
0xcf: {  	_ =	swait.ge @!p0 [sflag:s0], s1  }
0xd0: {  	s1 =	ssub.s32 @!p0 $0x0, s1;
	[sflag:s0] =	ssyncset.done @!p0 $0x0  }
0xd1: {  	[sflag:s0] =	ssyncadd.s32 @!p0 s1  }
0xd2: {  	[bflag:$0x3] =	sbarrier.arrive $0xFFFF  }
0xd3: {  	_ =	shalt  }

</sc_bundles>
